<compile_context>
chip_gen: v7x
topology: tpu7x:2x2x1
jax: 0.10.2.dev20260603
libtpu: 0.0.44.dev20260713+nightly
codegen_flags: <defaults>
</compile_context>

<pallas_src>
import functools

import jax
import jax.numpy as jnp
from jax import lax
from jax.experimental import pallas as pl
from jax.experimental.pallas import tpu as pltpu
from jax.experimental.pallas import tpu_sc as plsc

_B, _L, _D = 4096, 50, 128

try:
    _info = plsc.get_sparse_core_info()
    _NC, _NS = _info.num_cores, _info.num_subcores
except Exception:
    _NC, _NS = 2, 16
_NW = _NC * _NS
_BW = _B // _NW

_mesh = plsc.VectorSubcoreMesh(core_axis_name="c", subcore_axis_name="s")


@functools.partial(
    pl.kernel,
    out_type=jax.ShapeDtypeStruct((_L, _B, _D), jnp.float32),
    mesh=_mesh,
    scratch_types=[
        pltpu.VMEM((_L, _BW), jnp.int32),
        pltpu.VMEM((6, _BW, _D), jnp.float32),
        [pltpu.SemaphoreType.DMA] * 6,
        [pltpu.SemaphoreType.DMA] * 6,
    ],
)
def _emb_lookup(idx_hbm, table_hbm, out_hbm, idx_v, rows_v, gsem, ssem):
    wid = lax.axis_index("s") * _NC + lax.axis_index("c")
    b0 = wid * _BW
    pltpu.sync_copy(idx_hbm.at[:, pl.ds(b0, _BW)], idx_v)

    def _gather(c, b):
        return pltpu.make_async_copy(
            table_hbm.at[idx_v.at[c]], rows_v.at[b], gsem[b])

    def _scatter(c, b):
        return pltpu.make_async_copy(
            rows_v.at[b], out_hbm.at[c, pl.ds(b0, _BW)], ssem[b])

    def _step(c, b, py_tail=False):
        _gather(c, b).wait()
        _scatter(c, b).start()
        if py_tail:
            if c >= 3:
                _scatter(c - 3, (c - 3) % 6).wait()
            if c + 3 < _L:
                _gather(c + 3, (c + 3) % 6).start()
        else:
            @pl.when(c >= 3)
            def _():
                _scatter(c - 3, (b - 3) % 6).wait()

            @pl.when(c + 3 < _L)
            def _():
                _gather(c + 3, (b + 3) % 6).start()

    for c in range(3):
        _gather(c, c).start()

    _MAIN = (_L // 6) * 6

    @pl.loop(0, _MAIN, step=6)
    def _body(g):
        for b in range(6):
            _step(g + b, b)

    for c in range(_MAIN, _L):
        _step(c, c % 6, py_tail=True)

    for c in range(_L - 3, _L):
        _scatter(c, c % 6).wait()


def kernel(x, embedding_table):
    idx_t = jnp.swapaxes(x.astype(jnp.int32), 0, 1)
    out_t = _emb_lookup(idx_t, embedding_table)
    return jnp.swapaxes(out_t, 0, 1)

# --- scband reference (transcript-rebuilt; emitter-appended) ---
"""Pipeline reference for scband-language-feature-extractor-36438502539334 (READ-ONLY COPY).

The authoritative reference and input builder live on the scoring server;
editing this copy changes nothing except your own understanding.
"""

import jax, jax.numpy as jnp
import numpy as np

VOCAB = 100000
DIM = 128
B = 4096
L = 50

def setup_inputs(seed: int = 0) -> dict:
    key = jax.random.key(seed)
    k_idx, k_emb = jax.random.split(key)
    x = jax.random.randint(k_idx, (B, L), 0, VOCAB, dtype=jnp.int64 if jax.config.jax_enable_x64 else jnp.int32)
    embedding_table = jax.random.normal(k_emb, (VOCAB, DIM), dtype=jnp.float32)
    return {"x": x, "embedding_table": embedding_table}

def reference(x, embedding_table):
    # nn.Embedding forward: gather rows of the table by index
    return jnp.take(embedding_table, x, axis=0)

if __name__ == "__main__":
    import jax
    _d = setup_inputs()
    print(jax.jit(kernel)(*tuple(_d.values())))

</pallas_src>

<mosaic_0001>
#map = affine_map<(d0, d1) -> (0, 0)>
#map1 = affine_map<(d0, d1) -> (0, 0, 0)>
module attributes {stable_mosaic.version = 14 : i64} {
  func.func @_emb_lookup(%arg0: i32, %arg1: i32, %arg2: memref<50x4096xi32, #tpu.memory_space<hbm>>, %arg3: memref<100000x128xf32, #tpu.memory_space<hbm>>, %arg4: memref<50x4096x128xf32, #tpu.memory_space<hbm>>, %arg5: memref<50x128xi32, #tpu.memory_space<vmem>>, %arg6: memref<6x128x128xf32, #tpu.memory_space<vmem>>, %arg7: memref<!tpu.dma_semaphore, #tpu.memory_space<semaphore_mem>>, %arg8: memref<!tpu.dma_semaphore, #tpu.memory_space<semaphore_mem>>, %arg9: memref<!tpu.dma_semaphore, #tpu.memory_space<semaphore_mem>>, %arg10: memref<!tpu.dma_semaphore, #tpu.memory_space<semaphore_mem>>, %arg11: memref<!tpu.dma_semaphore, #tpu.memory_space<semaphore_mem>>, %arg12: memref<!tpu.dma_semaphore, #tpu.memory_space<semaphore_mem>>, %arg13: memref<!tpu.dma_semaphore, #tpu.memory_space<semaphore_mem>>, %arg14: memref<!tpu.dma_semaphore, #tpu.memory_space<semaphore_mem>>, %arg15: memref<!tpu.dma_semaphore, #tpu.memory_space<semaphore_mem>>, %arg16: memref<!tpu.dma_semaphore, #tpu.memory_space<semaphore_mem>>, %arg17: memref<!tpu.dma_semaphore, #tpu.memory_space<semaphore_mem>>, %arg18: memref<!tpu.dma_semaphore, #tpu.memory_space<semaphore_mem>>) attributes {dimension_semantics = [#tpu.dimension_semantics<core_parallel>, #tpu.dimension_semantics<subcore_parallel>], iteration_bounds = array<i64: 2, 16>, scalar_prefetch = 0 : i64, scratch_operands = 14 : i64, tpu.core_type = #tpu.core_type<sc_vector_subcore>, window_params = [{transform_indices = #map}, {transform_indices = #map}, {transform_indices = #map1}]} {
    %mul3A = arith.constant 2 : i32
    %mul3A_0 = arith.muli %arg1, %mul3A : i32
    %add3A = arith.addi %mul3A_0, %arg0 : i32
    %mul3A_1 = arith.constant 128 : i32
    %mul3A_2 = arith.muli %add3A, %mul3A_1 : i32
    "tpu.region"() ({
      %run_scoped3A = tpu.sem_alloc : memref<!tpu.dma_semaphore, #tpu.memory_space<semaphore_mem>>
      %dma_start3A_177 = arith.constant 0 : i32
      %dma_start3A_178 = tpu.memref_slice %arg2[%dma_start3A_177, %mul3A_2] : memref<50x4096xi32, #tpu.memory_space<hbm>> -> memref<50x128xi32, #tpu.memory_space<hbm>>
      %dma_start3A_179 = arith.constant 0 : i32
      %dma_start3A_180 = tpu.memref_slice %arg2[%dma_start3A_179, %mul3A_2] : memref<50x4096xi32, #tpu.memory_space<hbm>> -> memref<50x128xi32, #tpu.memory_space<hbm>>
      tpu.enqueue_dma source(%dma_start3A_180 : memref<50x128xi32, #tpu.memory_space<hbm>>) target(%arg5 : memref<50x128xi32, #tpu.memory_space<vmem>>) target_semaphore(%run_scoped3A : memref<!tpu.dma_semaphore, #tpu.memory_space<semaphore_mem>>)
      %dma_wait3A_181 = arith.constant 0 : i32
      %dma_wait3A_182 = tpu.memref_slice %arg2[%dma_wait3A_181, %mul3A_2] : memref<50x4096xi32, #tpu.memory_space<hbm>> -> memref<50x128xi32, #tpu.memory_space<hbm>>
      %dma_wait3A_183 = arith.constant 0 : i32
      %dma_wait3A_184 = tpu.memref_slice %arg2[%dma_wait3A_183, %mul3A_2] : memref<50x4096xi32, #tpu.memory_space<hbm>> -> memref<50x128xi32, #tpu.memory_space<hbm>>
      tpu.wait_dma2 semaphore(%run_scoped3A : memref<!tpu.dma_semaphore, #tpu.memory_space<semaphore_mem>>) src(%dma_wait3A_184 : memref<50x128xi32, #tpu.memory_space<hbm>>) dst(%arg5 : memref<50x128xi32, #tpu.memory_space<vmem>>)
      tpu.yield
    }) : () -> ()
    %dma_start3A = arith.constant 0 : i32
    %dma_start3A_3 = arith.constant 0 : i32
    %dma_start3A_4 = arith.constant 0 : i32
    %dma_start3A_5 = arith.constant 0 : i32
    %dma_start3A_6 = tpu.memref_slice %arg6[%dma_start3A_3, %dma_start3A_4, %dma_start3A_5] : memref<6x128x128xf32, #tpu.memory_space<vmem>> -> memref<1x128x128xf32, #tpu.memory_space<vmem>>
    %dma_start3A_7 = tpu.memref_squeeze %dma_start3A_6 : memref<1x128x128xf32, #tpu.memory_space<vmem>> -> memref<128x128xf32, #tpu.memory_space<vmem>>
    %dma_start3A_8 = arith.constant 0 : i32
    %dma_start3A_9 = tpu.memref_slice %arg5[%dma_start3A, %dma_start3A_8] : memref<50x128xi32, #tpu.memory_space<vmem>> -> memref<1x128xi32, #tpu.memory_space<vmem>>
    %dma_start3A_10 = tpu.memref_squeeze %dma_start3A_9 : memref<1x128xi32, #tpu.memory_space<vmem>> -> memref<128xi32, #tpu.memory_space<vmem>>
    %dma_start3A_11 = arith.constant 0 : i32
    %dma_start3A_12 = arith.constant 0 : i32
    %dma_start3A_13 = tpu.memref_slice %arg3[%dma_start3A_11, %dma_start3A_12] : memref<100000x128xf32, #tpu.memory_space<hbm>> -> memref<100000x128xf32, #tpu.memory_space<hbm>>
    tpu.enqueue_indirect_dma source(%dma_start3A_13 : memref<100000x128xf32, #tpu.memory_space<hbm>>) target(%dma_start3A_7 : memref<128x128xf32, #tpu.memory_space<vmem>>) offsets(%dma_start3A_10 : memref<128xi32, #tpu.memory_space<vmem>>) semaphore(%arg7 : memref<!tpu.dma_semaphore, #tpu.memory_space<semaphore_mem>>)
    %dma_start3A_14 = arith.constant 1 : i32
    %dma_start3A_15 = arith.constant 1 : i32
    %dma_start3A_16 = arith.constant 0 : i32
    %dma_start3A_17 = arith.constant 0 : i32
    %dma_start3A_18 = tpu.memref_slice %arg6[%dma_start3A_15, %dma_start3A_16, %dma_start3A_17] : memref<6x128x128xf32, #tpu.memory_space<vmem>> -> memref<1x128x128xf32, #tpu.memory_space<vmem>>
    %dma_start3A_19 = tpu.memref_squeeze %dma_start3A_18 : memref<1x128x128xf32, #tpu.memory_space<vmem>> -> memref<128x128xf32, #tpu.memory_space<vmem>>
    %dma_start3A_20 = arith.constant 0 : i32
    %dma_start3A_21 = tpu.memref_slice %arg5[%dma_start3A_14, %dma_start3A_20] : memref<50x128xi32, #tpu.memory_space<vmem>> -> memref<1x128xi32, #tpu.memory_space<vmem>>
    %dma_start3A_22 = tpu.memref_squeeze %dma_start3A_21 : memref<1x128xi32, #tpu.memory_space<vmem>> -> memref<128xi32, #tpu.memory_space<vmem>>
    %dma_start3A_23 = arith.constant 0 : i32
    %dma_start3A_24 = arith.constant 0 : i32
    %dma_start3A_25 = tpu.memref_slice %arg3[%dma_start3A_23, %dma_start3A_24] : memref<100000x128xf32, #tpu.memory_space<hbm>> -> memref<100000x128xf32, #tpu.memory_space<hbm>>
    tpu.enqueue_indirect_dma source(%dma_start3A_25 : memref<100000x128xf32, #tpu.memory_space<hbm>>) target(%dma_start3A_19 : memref<128x128xf32, #tpu.memory_space<vmem>>) offsets(%dma_start3A_22 : memref<128xi32, #tpu.memory_space<vmem>>) semaphore(%arg8 : memref<!tpu.dma_semaphore, #tpu.memory_space<semaphore_mem>>)
    %dma_start3A_26 = arith.constant 2 : i32
    %dma_start3A_27 = arith.constant 2 : i32
    %dma_start3A_28 = arith.constant 0 : i32
    %dma_start3A_29 = arith.constant 0 : i32
    %dma_start3A_30 = tpu.memref_slice %arg6[%dma_start3A_27, %dma_start3A_28, %dma_start3A_29] : memref<6x128x128xf32, #tpu.memory_space<vmem>> -> memref<1x128x128xf32, #tpu.memory_space<vmem>>
    %dma_start3A_31 = tpu.memref_squeeze %dma_start3A_30 : memref<1x128x128xf32, #tpu.memory_space<vmem>> -> memref<128x128xf32, #tpu.memory_space<vmem>>
    %dma_start3A_32 = arith.constant 0 : i32
    %dma_start3A_33 = tpu.memref_slice %arg5[%dma_start3A_26, %dma_start3A_32] : memref<50x128xi32, #tpu.memory_space<vmem>> -> memref<1x128xi32, #tpu.memory_space<vmem>>
    %dma_start3A_34 = tpu.memref_squeeze %dma_start3A_33 : memref<1x128xi32, #tpu.memory_space<vmem>> -> memref<128xi32, #tpu.memory_space<vmem>>
    %dma_start3A_35 = arith.constant 0 : i32
    %dma_start3A_36 = arith.constant 0 : i32
    %dma_start3A_37 = tpu.memref_slice %arg3[%dma_start3A_35, %dma_start3A_36] : memref<100000x128xf32, #tpu.memory_space<hbm>> -> memref<100000x128xf32, #tpu.memory_space<hbm>>
    tpu.enqueue_indirect_dma source(%dma_start3A_37 : memref<100000x128xf32, #tpu.memory_space<hbm>>) target(%dma_start3A_31 : memref<128x128xf32, #tpu.memory_space<vmem>>) offsets(%dma_start3A_34 : memref<128xi32, #tpu.memory_space<vmem>>) semaphore(%arg9 : memref<!tpu.dma_semaphore, #tpu.memory_space<semaphore_mem>>)
    %scan3A = arith.constant 0 : i32
    %scan3A_38 = arith.constant 8 : i32
    %scan3A_39 = arith.addi %scan3A, %scan3A_38 : i32
    %scan3A_40 = arith.constant 1 : i32
    scf.for %scan3A_177 = %scan3A to %scan3A_39 step %scan3A_40  : i32 {
      %mul3A_178 = arith.constant 6 : i32
      %mul3A_179 = arith.muli %scan3A_177, %mul3A_178 : i32
      %add3A_180 = arith.constant 0 : i32
      %add3A_181 = arith.addi %add3A_180, %mul3A_179 : i32
      %add3A_182 = arith.constant 0 : i32
      %add3A_183 = arith.addi %add3A_181, %add3A_182 : i32
      %dma_wait3A_184 = arith.constant 0 : i32
      %dma_wait3A_185 = arith.constant 0 : i32
      %dma_wait3A_186 = arith.constant 0 : i32
      %dma_wait3A_187 = tpu.memref_slice %arg6[%dma_wait3A_184, %dma_wait3A_185, %dma_wait3A_186] : memref<6x128x128xf32, #tpu.memory_space<vmem>> -> memref<1x128x128xf32, #tpu.memory_space<vmem>>
      %dma_wait3A_188 = tpu.memref_squeeze %dma_wait3A_187 : memref<1x128x128xf32, #tpu.memory_space<vmem>> -> memref<128x128xf32, #tpu.memory_space<vmem>>
      %dma_wait3A_189 = arith.constant 0 : i32
      %dma_wait3A_190 = tpu.memref_slice %arg5[%add3A_183, %dma_wait3A_189] : memref<50x128xi32, #tpu.memory_space<vmem>> -> memref<1x128xi32, #tpu.memory_space<vmem>>
      %dma_wait3A_191 = tpu.memref_squeeze %dma_wait3A_190 : memref<1x128xi32, #tpu.memory_space<vmem>> -> memref<128xi32, #tpu.memory_space<vmem>>
      %dma_wait3A_192 = arith.constant 0 : i32
      %dma_wait3A_193 = arith.constant 0 : i32
      %dma_wait3A_194 = tpu.memref_slice %arg3[%dma_wait3A_192, %dma_wait3A_193] : memref<100000x128xf32, #tpu.memory_space<hbm>> -> memref<100000x128xf32, #tpu.memory_space<hbm>>
      tpu.wait_indirect_dma semaphore(%arg7 : memref<!tpu.dma_semaphore, #tpu.memory_space<semaphore_mem>>) src(%dma_wait3A_194 : memref<100000x128xf32, #tpu.memory_space<hbm>>) dst(%dma_wait3A_188 : memref<128x128xf32, #tpu.memory_space<vmem>>)
      %dma_start3A_195 = arith.constant 0 : i32
      %dma_start3A_196 = arith.constant 0 : i32
      %dma_start3A_197 = arith.constant 0 : i32
      %dma_start3A_198 = tpu.memref_slice %arg6[%dma_start3A_195, %dma_start3A_196, %dma_start3A_197] : memref<6x128x128xf32, #tpu.memory_space<vmem>> -> memref<1x128x128xf32, #tpu.memory_space<vmem>>
      %dma_start3A_199 = tpu.memref_squeeze %dma_start3A_198 : memref<1x128x128xf32, #tpu.memory_space<vmem>> -> memref<128x128xf32, #tpu.memory_space<vmem>>
      %dma_start3A_200 = arith.constant 0 : i32
      %dma_start3A_201 = tpu.memref_slice %arg4[%add3A_183, %mul3A_2, %dma_start3A_200] : memref<50x4096x128xf32, #tpu.memory_space<hbm>> -> memref<1x128x128xf32, #tpu.memory_space<hbm>>
      %dma_start3A_202 = tpu.memref_squeeze %dma_start3A_201 : memref<1x128x128xf32, #tpu.memory_space<hbm>> -> memref<128x128xf32, #tpu.memory_space<hbm>>
      %dma_start3A_203 = arith.constant 0 : i32
      %dma_start3A_204 = tpu.memref_slice %arg4[%add3A_183, %mul3A_2, %dma_start3A_203] : memref<50x4096x128xf32, #tpu.memory_space<hbm>> -> memref<1x128x128xf32, #tpu.memory_space<hbm>>
      %dma_start3A_205 = tpu.memref_squeeze %dma_start3A_204 : memref<1x128x128xf32, #tpu.memory_space<hbm>> -> memref<128x128xf32, #tpu.memory_space<hbm>>
      %dma_start3A_206 = arith.constant 0 : i32
      %dma_start3A_207 = arith.constant 0 : i32
      %dma_start3A_208 = tpu.memref_slice %arg6[%dma_start3A_195, %dma_start3A_206, %dma_start3A_207] : memref<6x128x128xf32, #tpu.memory_space<vmem>> -> memref<1x128x128xf32, #tpu.memory_space<vmem>>
      %dma_start3A_209 = tpu.memref_squeeze %dma_start3A_208 : memref<1x128x128xf32, #tpu.memory_space<vmem>> -> memref<128x128xf32, #tpu.memory_space<vmem>>
      tpu.enqueue_dma source(%dma_start3A_209 : memref<128x128xf32, #tpu.memory_space<vmem>>) target(%dma_start3A_205 : memref<128x128xf32, #tpu.memory_space<hbm>>) target_semaphore(%arg13 : memref<!tpu.dma_semaphore, #tpu.memory_space<semaphore_mem>>)
      %ge3A = arith.constant 3 : i32
      %ge3A_210 = arith.cmpi sge, %add3A_183, %ge3A : i32
      %convert_element_type3A = arith.extui %ge3A_210 : i1 to i32
      %cond3A = arith.constant 0 : i32
      %cond3A_211 = arith.cmpi ne, %convert_element_type3A, %cond3A : i32
      scf.if %cond3A_211 {
        %sub3A = arith.constant 3 : i32
        %sub3A_418 = arith.subi %add3A_183, %sub3A : i32
        %dma_wait3A_419 = arith.constant 3 : i32
        %dma_wait3A_420 = arith.constant 0 : i32
        %dma_wait3A_421 = arith.constant 0 : i32
        %dma_wait3A_422 = tpu.memref_slice %arg6[%dma_wait3A_419, %dma_wait3A_420, %dma_wait3A_421] : memref<6x128x128xf32, #tpu.memory_space<vmem>> -> memref<1x128x128xf32, #tpu.memory_space<vmem>>
        %dma_wait3A_423 = tpu.memref_squeeze %dma_wait3A_422 : memref<1x128x128xf32, #tpu.memory_space<vmem>> -> memref<128x128xf32, #tpu.memory_space<vmem>>
        %dma_wait3A_424 = arith.constant 0 : i32
        %dma_wait3A_425 = tpu.memref_slice %arg4[%sub3A_418, %mul3A_2, %dma_wait3A_424] : memref<50x4096x128xf32, #tpu.memory_space<hbm>> -> memref<1x128x128xf32, #tpu.memory_space<hbm>>
        %dma_wait3A_426 = tpu.memref_squeeze %dma_wait3A_425 : memref<1x128x128xf32, #tpu.memory_space<hbm>> -> memref<128x128xf32, #tpu.memory_space<hbm>>
        %dma_wait3A_427 = arith.constant 0 : i32
        %dma_wait3A_428 = tpu.memref_slice %arg4[%sub3A_418, %mul3A_2, %dma_wait3A_427] : memref<50x4096x128xf32, #tpu.memory_space<hbm>> -> memref<1x128x128xf32, #tpu.memory_space<hbm>>
        %dma_wait3A_429 = tpu.memref_squeeze %dma_wait3A_428 : memref<1x128x128xf32, #tpu.memory_space<hbm>> -> memref<128x128xf32, #tpu.memory_space<hbm>>
        %dma_wait3A_430 = arith.constant 0 : i32
        %dma_wait3A_431 = arith.constant 0 : i32
        %dma_wait3A_432 = tpu.memref_slice %arg6[%dma_wait3A_419, %dma_wait3A_430, %dma_wait3A_431] : memref<6x128x128xf32, #tpu.memory_space<vmem>> -> memref<1x128x128xf32, #tpu.memory_space<vmem>>
        %dma_wait3A_433 = tpu.memref_squeeze %dma_wait3A_432 : memref<1x128x128xf32, #tpu.memory_space<vmem>> -> memref<128x128xf32, #tpu.memory_space<vmem>>
        tpu.wait_dma2 semaphore(%arg16 : memref<!tpu.dma_semaphore, #tpu.memory_space<semaphore_mem>>) src(%dma_wait3A_433 : memref<128x128xf32, #tpu.memory_space<vmem>>) dst(%dma_wait3A_429 : memref<128x128xf32, #tpu.memory_space<hbm>>)
      } else {
      }
      %add3A_212 = arith.constant 3 : i32
      %add3A_213 = arith.addi %add3A_183, %add3A_212 : i32
      %lt3A = arith.constant 50 : i32
      %lt3A_214 = arith.cmpi slt, %add3A_213, %lt3A : i32
      %convert_element_type3A_215 = arith.extui %lt3A_214 : i1 to i32
      %cond3A_216 = arith.constant 0 : i32
      %cond3A_217 = arith.cmpi ne, %convert_element_type3A_215, %cond3A_216 : i32
      scf.if %cond3A_217 {
        %add3A_418 = arith.constant 3 : i32
        %add3A_419 = arith.addi %add3A_183, %add3A_418 : i32
        %dma_start3A_420 = arith.constant 3 : i32
        %dma_start3A_421 = arith.constant 0 : i32
        %dma_start3A_422 = arith.constant 0 : i32
        %dma_start3A_423 = tpu.memref_slice %arg6[%dma_start3A_420, %dma_start3A_421, %dma_start3A_422] : memref<6x128x128xf32, #tpu.memory_space<vmem>> -> memref<1x128x128xf32, #tpu.memory_space<vmem>>
        %dma_start3A_424 = tpu.memref_squeeze %dma_start3A_423 : memref<1x128x128xf32, #tpu.memory_space<vmem>> -> memref<128x128xf32, #tpu.memory_space<vmem>>
        %dma_start3A_425 = arith.constant 0 : i32
        %dma_start3A_426 = tpu.memref_slice %arg5[%add3A_419, %dma_start3A_425] : memref<50x128xi32, #tpu.memory_space<vmem>> -> memref<1x128xi32, #tpu.memory_space<vmem>>
        %dma_start3A_427 = tpu.memref_squeeze %dma_start3A_426 : memref<1x128xi32, #tpu.memory_space<vmem>> -> memref<128xi32, #tpu.memory_space<vmem>>
        %dma_start3A_428 = arith.constant 0 : i32
        %dma_start3A_429 = arith.constant 0 : i32
        %dma_start3A_430 = tpu.memref_slice %arg3[%dma_start3A_428, %dma_start3A_429] : memref<100000x128xf32, #tpu.memory_space<hbm>> -> memref<100000x128xf32, #tpu.memory_space<hbm>>
        tpu.enqueue_indirect_dma source(%dma_start3A_430 : memref<100000x128xf32, #tpu.memory_space<hbm>>) target(%dma_start3A_424 : memref<128x128xf32, #tpu.memory_space<vmem>>) offsets(%dma_start3A_427 : memref<128xi32, #tpu.memory_space<vmem>>) semaphore(%arg10 : memref<!tpu.dma_semaphore, #tpu.memory_space<semaphore_mem>>)
      } else {
      }
      %add3A_218 = arith.constant 1 : i32
      %add3A_219 = arith.addi %add3A_181, %add3A_218 : i32
      %dma_wait3A_220 = arith.constant 1 : i32
      %dma_wait3A_221 = arith.constant 0 : i32
      %dma_wait3A_222 = arith.constant 0 : i32
      %dma_wait3A_223 = tpu.memref_slice %arg6[%dma_wait3A_220, %dma_wait3A_221, %dma_wait3A_222] : memref<6x128x128xf32, #tpu.memory_space<vmem>> -> memref<1x128x128xf32, #tpu.memory_space<vmem>>
      %dma_wait3A_224 = tpu.memref_squeeze %dma_wait3A_223 : memref<1x128x128xf32, #tpu.memory_space<vmem>> -> memref<128x128xf32, #tpu.memory_space<vmem>>
      %dma_wait3A_225 = arith.constant 0 : i32
      %dma_wait3A_226 = tpu.memref_slice %arg5[%add3A_219, %dma_wait3A_225] : memref<50x128xi32, #tpu.memory_space<vmem>> -> memref<1x128xi32, #tpu.memory_space<vmem>>
      %dma_wait3A_227 = tpu.memref_squeeze %dma_wait3A_226 : memref<1x128xi32, #tpu.memory_space<vmem>> -> memref<128xi32, #tpu.memory_space<vmem>>
      %dma_wait3A_228 = arith.constant 0 : i32
      %dma_wait3A_229 = arith.constant 0 : i32
      %dma_wait3A_230 = tpu.memref_slice %arg3[%dma_wait3A_228, %dma_wait3A_229] : memref<100000x128xf32, #tpu.memory_space<hbm>> -> memref<100000x128xf32, #tpu.memory_space<hbm>>
      tpu.wait_indirect_dma semaphore(%arg8 : memref<!tpu.dma_semaphore, #tpu.memory_space<semaphore_mem>>) src(%dma_wait3A_230 : memref<100000x128xf32, #tpu.memory_space<hbm>>) dst(%dma_wait3A_224 : memref<128x128xf32, #tpu.memory_space<vmem>>)
      %dma_start3A_231 = arith.constant 1 : i32
      %dma_start3A_232 = arith.constant 0 : i32
      %dma_start3A_233 = arith.constant 0 : i32
      %dma_start3A_234 = tpu.memref_slice %arg6[%dma_start3A_231, %dma_start3A_232, %dma_start3A_233] : memref<6x128x128xf32, #tpu.memory_space<vmem>> -> memref<1x128x128xf32, #tpu.memory_space<vmem>>
      %dma_start3A_235 = tpu.memref_squeeze %dma_start3A_234 : memref<1x128x128xf32, #tpu.memory_space<vmem>> -> memref<128x128xf32, #tpu.memory_space<vmem>>
      %dma_start3A_236 = arith.constant 0 : i32
      %dma_start3A_237 = tpu.memref_slice %arg4[%add3A_219, %mul3A_2, %dma_start3A_236] : memref<50x4096x128xf32, #tpu.memory_space<hbm>> -> memref<1x128x128xf32, #tpu.memory_space<hbm>>
      %dma_start3A_238 = tpu.memref_squeeze %dma_start3A_237 : memref<1x128x128xf32, #tpu.memory_space<hbm>> -> memref<128x128xf32, #tpu.memory_space<hbm>>
      %dma_start3A_239 = arith.constant 0 : i32
      %dma_start3A_240 = tpu.memref_slice %arg4[%add3A_219, %mul3A_2, %dma_start3A_239] : memref<50x4096x128xf32, #tpu.memory_space<hbm>> -> memref<1x128x128xf32, #tpu.memory_space<hbm>>
      %dma_start3A_241 = tpu.memref_squeeze %dma_start3A_240 : memref<1x128x128xf32, #tpu.memory_space<hbm>> -> memref<128x128xf32, #tpu.memory_space<hbm>>
      %dma_start3A_242 = arith.constant 0 : i32
      %dma_start3A_243 = arith.constant 0 : i32
      %dma_start3A_244 = tpu.memref_slice %arg6[%dma_start3A_231, %dma_start3A_242, %dma_start3A_243] : memref<6x128x128xf32, #tpu.memory_space<vmem>> -> memref<1x128x128xf32, #tpu.memory_space<vmem>>
      %dma_start3A_245 = tpu.memref_squeeze %dma_start3A_244 : memref<1x128x128xf32, #tpu.memory_space<vmem>> -> memref<128x128xf32, #tpu.memory_space<vmem>>
      tpu.enqueue_dma source(%dma_start3A_245 : memref<128x128xf32, #tpu.memory_space<vmem>>) target(%dma_start3A_241 : memref<128x128xf32, #tpu.memory_space<hbm>>) target_semaphore(%arg14 : memref<!tpu.dma_semaphore, #tpu.memory_space<semaphore_mem>>)
      %ge3A_246 = arith.constant 3 : i32
      %ge3A_247 = arith.cmpi sge, %add3A_219, %ge3A_246 : i32
      %convert_element_type3A_248 = arith.extui %ge3A_247 : i1 to i32
      %cond3A_249 = arith.constant 0 : i32
      %cond3A_250 = arith.cmpi ne, %convert_element_type3A_248, %cond3A_249 : i32
      scf.if %cond3A_250 {
        %sub3A = arith.constant 3 : i32
        %sub3A_418 = arith.subi %add3A_219, %sub3A : i32
        %dma_wait3A_419 = arith.constant 4 : i32
        %dma_wait3A_420 = arith.constant 0 : i32
        %dma_wait3A_421 = arith.constant 0 : i32
        %dma_wait3A_422 = tpu.memref_slice %arg6[%dma_wait3A_419, %dma_wait3A_420, %dma_wait3A_421] : memref<6x128x128xf32, #tpu.memory_space<vmem>> -> memref<1x128x128xf32, #tpu.memory_space<vmem>>
        %dma_wait3A_423 = tpu.memref_squeeze %dma_wait3A_422 : memref<1x128x128xf32, #tpu.memory_space<vmem>> -> memref<128x128xf32, #tpu.memory_space<vmem>>
        %dma_wait3A_424 = arith.constant 0 : i32
        %dma_wait3A_425 = tpu.memref_slice %arg4[%sub3A_418, %mul3A_2, %dma_wait3A_424] : memref<50x4096x128xf32, #tpu.memory_space<hbm>> -> memref<1x128x128xf32, #tpu.memory_space<hbm>>
        %dma_wait3A_426 = tpu.memref_squeeze %dma_wait3A_425 : memref<1x128x128xf32, #tpu.memory_space<hbm>> -> memref<128x128xf32, #tpu.memory_space<hbm>>
        %dma_wait3A_427 = arith.constant 0 : i32
        %dma_wait3A_428 = tpu.memref_slice %arg4[%sub3A_418, %mul3A_2, %dma_wait3A_427] : memref<50x4096x128xf32, #tpu.memory_space<hbm>> -> memref<1x128x128xf32, #tpu.memory_space<hbm>>
        %dma_wait3A_429 = tpu.memref_squeeze %dma_wait3A_428 : memref<1x128x128xf32, #tpu.memory_space<hbm>> -> memref<128x128xf32, #tpu.memory_space<hbm>>
        %dma_wait3A_430 = arith.constant 0 : i32
        %dma_wait3A_431 = arith.constant 0 : i32
        %dma_wait3A_432 = tpu.memref_slice %arg6[%dma_wait3A_419, %dma_wait3A_430, %dma_wait3A_431] : memref<6x128x128xf32, #tpu.memory_space<vmem>> -> memref<1x128x128xf32, #tpu.memory_space<vmem>>
        %dma_wait3A_433 = tpu.memref_squeeze %dma_wait3A_432 : memref<1x128x128xf32, #tpu.memory_space<vmem>> -> memref<128x128xf32, #tpu.memory_space<vmem>>
        tpu.wait_dma2 semaphore(%arg17 : memref<!tpu.dma_semaphore, #tpu.memory_space<semaphore_mem>>) src(%dma_wait3A_433 : memref<128x128xf32, #tpu.memory_space<vmem>>) dst(%dma_wait3A_429 : memref<128x128xf32, #tpu.memory_space<hbm>>)
      } else {
      }
      %add3A_251 = arith.constant 3 : i32
      %add3A_252 = arith.addi %add3A_219, %add3A_251 : i32
      %lt3A_253 = arith.constant 50 : i32
      %lt3A_254 = arith.cmpi slt, %add3A_252, %lt3A_253 : i32
      %convert_element_type3A_255 = arith.extui %lt3A_254 : i1 to i32
      %cond3A_256 = arith.constant 0 : i32
      %cond3A_257 = arith.cmpi ne, %convert_element_type3A_255, %cond3A_256 : i32
      scf.if %cond3A_257 {
        %add3A_418 = arith.constant 3 : i32
        %add3A_419 = arith.addi %add3A_219, %add3A_418 : i32
        %dma_start3A_420 = arith.constant 4 : i32
        %dma_start3A_421 = arith.constant 0 : i32
        %dma_start3A_422 = arith.constant 0 : i32
        %dma_start3A_423 = tpu.memref_slice %arg6[%dma_start3A_420, %dma_start3A_421, %dma_start3A_422] : memref<6x128x128xf32, #tpu.memory_space<vmem>> -> memref<1x128x128xf32, #tpu.memory_space<vmem>>
        %dma_start3A_424 = tpu.memref_squeeze %dma_start3A_423 : memref<1x128x128xf32, #tpu.memory_space<vmem>> -> memref<128x128xf32, #tpu.memory_space<vmem>>
        %dma_start3A_425 = arith.constant 0 : i32
        %dma_start3A_426 = tpu.memref_slice %arg5[%add3A_419, %dma_start3A_425] : memref<50x128xi32, #tpu.memory_space<vmem>> -> memref<1x128xi32, #tpu.memory_space<vmem>>
        %dma_start3A_427 = tpu.memref_squeeze %dma_start3A_426 : memref<1x128xi32, #tpu.memory_space<vmem>> -> memref<128xi32, #tpu.memory_space<vmem>>
        %dma_start3A_428 = arith.constant 0 : i32
        %dma_start3A_429 = arith.constant 0 : i32
        %dma_start3A_430 = tpu.memref_slice %arg3[%dma_start3A_428, %dma_start3A_429] : memref<100000x128xf32, #tpu.memory_space<hbm>> -> memref<100000x128xf32, #tpu.memory_space<hbm>>
        tpu.enqueue_indirect_dma source(%dma_start3A_430 : memref<100000x128xf32, #tpu.memory_space<hbm>>) target(%dma_start3A_424 : memref<128x128xf32, #tpu.memory_space<vmem>>) offsets(%dma_start3A_427 : memref<128xi32, #tpu.memory_space<vmem>>) semaphore(%arg11 : memref<!tpu.dma_semaphore, #tpu.memory_space<semaphore_mem>>)
      } else {
      }
      %add3A_258 = arith.constant 2 : i32
      %add3A_259 = arith.addi %add3A_181, %add3A_258 : i32
      %dma_wait3A_260 = arith.constant 2 : i32
      %dma_wait3A_261 = arith.constant 0 : i32
      %dma_wait3A_262 = arith.constant 0 : i32
      %dma_wait3A_263 = tpu.memref_slice %arg6[%dma_wait3A_260, %dma_wait3A_261, %dma_wait3A_262] : memref<6x128x128xf32, #tpu.memory_space<vmem>> -> memref<1x128x128xf32, #tpu.memory_space<vmem>>
      %dma_wait3A_264 = tpu.memref_squeeze %dma_wait3A_263 : memref<1x128x128xf32, #tpu.memory_space<vmem>> -> memref<128x128xf32, #tpu.memory_space<vmem>>
      %dma_wait3A_265 = arith.constant 0 : i32
      %dma_wait3A_266 = tpu.memref_slice %arg5[%add3A_259, %dma_wait3A_265] : memref<50x128xi32, #tpu.memory_space<vmem>> -> memref<1x128xi32, #tpu.memory_space<vmem>>
      %dma_wait3A_267 = tpu.memref_squeeze %dma_wait3A_266 : memref<1x128xi32, #tpu.memory_space<vmem>> -> memref<128xi32, #tpu.memory_space<vmem>>
      %dma_wait3A_268 = arith.constant 0 : i32
      %dma_wait3A_269 = arith.constant 0 : i32
      %dma_wait3A_270 = tpu.memref_slice %arg3[%dma_wait3A_268, %dma_wait3A_269] : memref<100000x128xf32, #tpu.memory_space<hbm>> -> memref<100000x128xf32, #tpu.memory_space<hbm>>
      tpu.wait_indirect_dma semaphore(%arg9 : memref<!tpu.dma_semaphore, #tpu.memory_space<semaphore_mem>>) src(%dma_wait3A_270 : memref<100000x128xf32, #tpu.memory_space<hbm>>) dst(%dma_wait3A_264 : memref<128x128xf32, #tpu.memory_space<vmem>>)
      %dma_start3A_271 = arith.constant 2 : i32
      %dma_start3A_272 = arith.constant 0 : i32
      %dma_start3A_273 = arith.constant 0 : i32
      %dma_start3A_274 = tpu.memref_slice %arg6[%dma_start3A_271, %dma_start3A_272, %dma_start3A_273] : memref<6x128x128xf32, #tpu.memory_space<vmem>> -> memref<1x128x128xf32, #tpu.memory_space<vmem>>
      %dma_start3A_275 = tpu.memref_squeeze %dma_start3A_274 : memref<1x128x128xf32, #tpu.memory_space<vmem>> -> memref<128x128xf32, #tpu.memory_space<vmem>>
      %dma_start3A_276 = arith.constant 0 : i32
      %dma_start3A_277 = tpu.memref_slice %arg4[%add3A_259, %mul3A_2, %dma_start3A_276] : memref<50x4096x128xf32, #tpu.memory_space<hbm>> -> memref<1x128x128xf32, #tpu.memory_space<hbm>>
      %dma_start3A_278 = tpu.memref_squeeze %dma_start3A_277 : memref<1x128x128xf32, #tpu.memory_space<hbm>> -> memref<128x128xf32, #tpu.memory_space<hbm>>
      %dma_start3A_279 = arith.constant 0 : i32
      %dma_start3A_280 = tpu.memref_slice %arg4[%add3A_259, %mul3A_2, %dma_start3A_279] : memref<50x4096x128xf32, #tpu.memory_space<hbm>> -> memref<1x128x128xf32, #tpu.memory_space<hbm>>
      %dma_start3A_281 = tpu.memref_squeeze %dma_start3A_280 : memref<1x128x128xf32, #tpu.memory_space<hbm>> -> memref<128x128xf32, #tpu.memory_space<hbm>>
      %dma_start3A_282 = arith.constant 0 : i32
      %dma_start3A_283 = arith.constant 0 : i32
      %dma_start3A_284 = tpu.memref_slice %arg6[%dma_start3A_271, %dma_start3A_282, %dma_start3A_283] : memref<6x128x128xf32, #tpu.memory_space<vmem>> -> memref<1x128x128xf32, #tpu.memory_space<vmem>>
      %dma_start3A_285 = tpu.memref_squeeze %dma_start3A_284 : memref<1x128x128xf32, #tpu.memory_space<vmem>> -> memref<128x128xf32, #tpu.memory_space<vmem>>
      tpu.enqueue_dma source(%dma_start3A_285 : memref<128x128xf32, #tpu.memory_space<vmem>>) target(%dma_start3A_281 : memref<128x128xf32, #tpu.memory_space<hbm>>) target_semaphore(%arg15 : memref<!tpu.dma_semaphore, #tpu.memory_space<semaphore_mem>>)
      %ge3A_286 = arith.constant 3 : i32
      %ge3A_287 = arith.cmpi sge, %add3A_259, %ge3A_286 : i32
      %convert_element_type3A_288 = arith.extui %ge3A_287 : i1 to i32
      %cond3A_289 = arith.constant 0 : i32
      %cond3A_290 = arith.cmpi ne, %convert_element_type3A_288, %cond3A_289 : i32
      scf.if %cond3A_290 {
        %sub3A = arith.constant 3 : i32
        %sub3A_418 = arith.subi %add3A_259, %sub3A : i32
        %dma_wait3A_419 = arith.constant 5 : i32
        %dma_wait3A_420 = arith.constant 0 : i32
        %dma_wait3A_421 = arith.constant 0 : i32
        %dma_wait3A_422 = tpu.memref_slice %arg6[%dma_wait3A_419, %dma_wait3A_420, %dma_wait3A_421] : memref<6x128x128xf32, #tpu.memory_space<vmem>> -> memref<1x128x128xf32, #tpu.memory_space<vmem>>
        %dma_wait3A_423 = tpu.memref_squeeze %dma_wait3A_422 : memref<1x128x128xf32, #tpu.memory_space<vmem>> -> memref<128x128xf32, #tpu.memory_space<vmem>>
        %dma_wait3A_424 = arith.constant 0 : i32
        %dma_wait3A_425 = tpu.memref_slice %arg4[%sub3A_418, %mul3A_2, %dma_wait3A_424] : memref<50x4096x128xf32, #tpu.memory_space<hbm>> -> memref<1x128x128xf32, #tpu.memory_space<hbm>>
        %dma_wait3A_426 = tpu.memref_squeeze %dma_wait3A_425 : memref<1x128x128xf32, #tpu.memory_space<hbm>> -> memref<128x128xf32, #tpu.memory_space<hbm>>
        %dma_wait3A_427 = arith.constant 0 : i32
        %dma_wait3A_428 = tpu.memref_slice %arg4[%sub3A_418, %mul3A_2, %dma_wait3A_427] : memref<50x4096x128xf32, #tpu.memory_space<hbm>> -> memref<1x128x128xf32, #tpu.memory_space<hbm>>
        %dma_wait3A_429 = tpu.memref_squeeze %dma_wait3A_428 : memref<1x128x128xf32, #tpu.memory_space<hbm>> -> memref<128x128xf32, #tpu.memory_space<hbm>>
        %dma_wait3A_430 = arith.constant 0 : i32
        %dma_wait3A_431 = arith.constant 0 : i32
        %dma_wait3A_432 = tpu.memref_slice %arg6[%dma_wait3A_419, %dma_wait3A_430, %dma_wait3A_431] : memref<6x128x128xf32, #tpu.memory_space<vmem>> -> memref<1x128x128xf32, #tpu.memory_space<vmem>>
        %dma_wait3A_433 = tpu.memref_squeeze %dma_wait3A_432 : memref<1x128x128xf32, #tpu.memory_space<vmem>> -> memref<128x128xf32, #tpu.memory_space<vmem>>
        tpu.wait_dma2 semaphore(%arg18 : memref<!tpu.dma_semaphore, #tpu.memory_space<semaphore_mem>>) src(%dma_wait3A_433 : memref<128x128xf32, #tpu.memory_space<vmem>>) dst(%dma_wait3A_429 : memref<128x128xf32, #tpu.memory_space<hbm>>)
      } else {
      }
      %add3A_291 = arith.constant 3 : i32
      %add3A_292 = arith.addi %add3A_259, %add3A_291 : i32
      %lt3A_293 = arith.constant 50 : i32
      %lt3A_294 = arith.cmpi slt, %add3A_292, %lt3A_293 : i32
      %convert_element_type3A_295 = arith.extui %lt3A_294 : i1 to i32
      %cond3A_296 = arith.constant 0 : i32
      %cond3A_297 = arith.cmpi ne, %convert_element_type3A_295, %cond3A_296 : i32
      scf.if %cond3A_297 {
        %add3A_418 = arith.constant 3 : i32
        %add3A_419 = arith.addi %add3A_259, %add3A_418 : i32
        %dma_start3A_420 = arith.constant 5 : i32
        %dma_start3A_421 = arith.constant 0 : i32
        %dma_start3A_422 = arith.constant 0 : i32
        %dma_start3A_423 = tpu.memref_slice %arg6[%dma_start3A_420, %dma_start3A_421, %dma_start3A_422] : memref<6x128x128xf32, #tpu.memory_space<vmem>> -> memref<1x128x128xf32, #tpu.memory_space<vmem>>
        %dma_start3A_424 = tpu.memref_squeeze %dma_start3A_423 : memref<1x128x128xf32, #tpu.memory_space<vmem>> -> memref<128x128xf32, #tpu.memory_space<vmem>>
        %dma_start3A_425 = arith.constant 0 : i32
        %dma_start3A_426 = tpu.memref_slice %arg5[%add3A_419, %dma_start3A_425] : memref<50x128xi32, #tpu.memory_space<vmem>> -> memref<1x128xi32, #tpu.memory_space<vmem>>
        %dma_start3A_427 = tpu.memref_squeeze %dma_start3A_426 : memref<1x128xi32, #tpu.memory_space<vmem>> -> memref<128xi32, #tpu.memory_space<vmem>>
        %dma_start3A_428 = arith.constant 0 : i32
        %dma_start3A_429 = arith.constant 0 : i32
        %dma_start3A_430 = tpu.memref_slice %arg3[%dma_start3A_428, %dma_start3A_429] : memref<100000x128xf32, #tpu.memory_space<hbm>> -> memref<100000x128xf32, #tpu.memory_space<hbm>>
        tpu.enqueue_indirect_dma source(%dma_start3A_430 : memref<100000x128xf32, #tpu.memory_space<hbm>>) target(%dma_start3A_424 : memref<128x128xf32, #tpu.memory_space<vmem>>) offsets(%dma_start3A_427 : memref<128xi32, #tpu.memory_space<vmem>>) semaphore(%arg12 : memref<!tpu.dma_semaphore, #tpu.memory_space<semaphore_mem>>)
      } else {
      }
      %add3A_298 = arith.constant 3 : i32
      %add3A_299 = arith.addi %add3A_181, %add3A_298 : i32
      %dma_wait3A_300 = arith.constant 3 : i32
      %dma_wait3A_301 = arith.constant 0 : i32
      %dma_wait3A_302 = arith.constant 0 : i32
      %dma_wait3A_303 = tpu.memref_slice %arg6[%dma_wait3A_300, %dma_wait3A_301, %dma_wait3A_302] : memref<6x128x128xf32, #tpu.memory_space<vmem>> -> memref<1x128x128xf32, #tpu.memory_space<vmem>>
      %dma_wait3A_304 = tpu.memref_squeeze %dma_wait3A_303 : memref<1x128x128xf32, #tpu.memory_space<vmem>> -> memref<128x128xf32, #tpu.memory_space<vmem>>
      %dma_wait3A_305 = arith.constant 0 : i32
      %dma_wait3A_306 = tpu.memref_slice %arg5[%add3A_299, %dma_wait3A_305] : memref<50x128xi32, #tpu.memory_space<vmem>> -> memref<1x128xi32, #tpu.memory_space<vmem>>
      %dma_wait3A_307 = tpu.memref_squeeze %dma_wait3A_306 : memref<1x128xi32, #tpu.memory_space<vmem>> -> memref<128xi32, #tpu.memory_space<vmem>>
      %dma_wait3A_308 = arith.constant 0 : i32
      %dma_wait3A_309 = arith.constant 0 : i32
      %dma_wait3A_310 = tpu.memref_slice %arg3[%dma_wait3A_308, %dma_wait3A_309] : memref<100000x128xf32, #tpu.memory_space<hbm>> -> memref<100000x128xf32, #tpu.memory_space<hbm>>
      tpu.wait_indirect_dma semaphore(%arg10 : memref<!tpu.dma_semaphore, #tpu.memory_space<semaphore_mem>>) src(%dma_wait3A_310 : memref<100000x128xf32, #tpu.memory_space<hbm>>) dst(%dma_wait3A_304 : memref<128x128xf32, #tpu.memory_space<vmem>>)
      %dma_start3A_311 = arith.constant 3 : i32
      %dma_start3A_312 = arith.constant 0 : i32
      %dma_start3A_313 = arith.constant 0 : i32
      %dma_start3A_314 = tpu.memref_slice %arg6[%dma_start3A_311, %dma_start3A_312, %dma_start3A_313] : memref<6x128x128xf32, #tpu.memory_space<vmem>> -> memref<1x128x128xf32, #tpu.memory_space<vmem>>
      %dma_start3A_315 = tpu.memref_squeeze %dma_start3A_314 : memref<1x128x128xf32, #tpu.memory_space<vmem>> -> memref<128x128xf32, #tpu.memory_space<vmem>>
      %dma_start3A_316 = arith.constant 0 : i32
      %dma_start3A_317 = tpu.memref_slice %arg4[%add3A_299, %mul3A_2, %dma_start3A_316] : memref<50x4096x128xf32, #tpu.memory_space<hbm>> -> memref<1x128x128xf32, #tpu.memory_space<hbm>>
      %dma_start3A_318 = tpu.memref_squeeze %dma_start3A_317 : memref<1x128x128xf32, #tpu.memory_space<hbm>> -> memref<128x128xf32, #tpu.memory_space<hbm>>
      %dma_start3A_319 = arith.constant 0 : i32
      %dma_start3A_320 = tpu.memref_slice %arg4[%add3A_299, %mul3A_2, %dma_start3A_319] : memref<50x4096x128xf32, #tpu.memory_space<hbm>> -> memref<1x128x128xf32, #tpu.memory_space<hbm>>
      %dma_start3A_321 = tpu.memref_squeeze %dma_start3A_320 : memref<1x128x128xf32, #tpu.memory_space<hbm>> -> memref<128x128xf32, #tpu.memory_space<hbm>>
      %dma_start3A_322 = arith.constant 0 : i32
      %dma_start3A_323 = arith.constant 0 : i32
      %dma_start3A_324 = tpu.memref_slice %arg6[%dma_start3A_311, %dma_start3A_322, %dma_start3A_323] : memref<6x128x128xf32, #tpu.memory_space<vmem>> -> memref<1x128x128xf32, #tpu.memory_space<vmem>>
      %dma_start3A_325 = tpu.memref_squeeze %dma_start3A_324 : memref<1x128x128xf32, #tpu.memory_space<vmem>> -> memref<128x128xf32, #tpu.memory_space<vmem>>
      tpu.enqueue_dma source(%dma_start3A_325 : memref<128x128xf32, #tpu.memory_space<vmem>>) target(%dma_start3A_321 : memref<128x128xf32, #tpu.memory_space<hbm>>) target_semaphore(%arg16 : memref<!tpu.dma_semaphore, #tpu.memory_space<semaphore_mem>>)
      %ge3A_326 = arith.constant 3 : i32
      %ge3A_327 = arith.cmpi sge, %add3A_299, %ge3A_326 : i32
      %convert_element_type3A_328 = arith.extui %ge3A_327 : i1 to i32
      %cond3A_329 = arith.constant 0 : i32
      %cond3A_330 = arith.cmpi ne, %convert_element_type3A_328, %cond3A_329 : i32
      scf.if %cond3A_330 {
        %sub3A = arith.constant 3 : i32
        %sub3A_418 = arith.subi %add3A_299, %sub3A : i32
        %dma_wait3A_419 = arith.constant 0 : i32
        %dma_wait3A_420 = arith.constant 0 : i32
        %dma_wait3A_421 = arith.constant 0 : i32
        %dma_wait3A_422 = tpu.memref_slice %arg6[%dma_wait3A_419, %dma_wait3A_420, %dma_wait3A_421] : memref<6x128x128xf32, #tpu.memory_space<vmem>> -> memref<1x128x128xf32, #tpu.memory_space<vmem>>
        %dma_wait3A_423 = tpu.memref_squeeze %dma_wait3A_422 : memref<1x128x128xf32, #tpu.memory_space<vmem>> -> memref<128x128xf32, #tpu.memory_space<vmem>>
        %dma_wait3A_424 = arith.constant 0 : i32
        %dma_wait3A_425 = tpu.memref_slice %arg4[%sub3A_418, %mul3A_2, %dma_wait3A_424] : memref<50x4096x128xf32, #tpu.memory_space<hbm>> -> memref<1x128x128xf32, #tpu.memory_space<hbm>>
        %dma_wait3A_426 = tpu.memref_squeeze %dma_wait3A_425 : memref<1x128x128xf32, #tpu.memory_space<hbm>> -> memref<128x128xf32, #tpu.memory_space<hbm>>
        %dma_wait3A_427 = arith.constant 0 : i32
        %dma_wait3A_428 = tpu.memref_slice %arg4[%sub3A_418, %mul3A_2, %dma_wait3A_427] : memref<50x4096x128xf32, #tpu.memory_space<hbm>> -> memref<1x128x128xf32, #tpu.memory_space<hbm>>
        %dma_wait3A_429 = tpu.memref_squeeze %dma_wait3A_428 : memref<1x128x128xf32, #tpu.memory_space<hbm>> -> memref<128x128xf32, #tpu.memory_space<hbm>>
        %dma_wait3A_430 = arith.constant 0 : i32
        %dma_wait3A_431 = arith.constant 0 : i32
        %dma_wait3A_432 = tpu.memref_slice %arg6[%dma_wait3A_419, %dma_wait3A_430, %dma_wait3A_431] : memref<6x128x128xf32, #tpu.memory_space<vmem>> -> memref<1x128x128xf32, #tpu.memory_space<vmem>>
        %dma_wait3A_433 = tpu.memref_squeeze %dma_wait3A_432 : memref<1x128x128xf32, #tpu.memory_space<vmem>> -> memref<128x128xf32, #tpu.memory_space<vmem>>
        tpu.wait_dma2 semaphore(%arg13 : memref<!tpu.dma_semaphore, #tpu.memory_space<semaphore_mem>>) src(%dma_wait3A_433 : memref<128x128xf32, #tpu.memory_space<vmem>>) dst(%dma_wait3A_429 : memref<128x128xf32, #tpu.memory_space<hbm>>)
      } else {
      }
      %add3A_331 = arith.constant 3 : i32
      %add3A_332 = arith.addi %add3A_299, %add3A_331 : i32
      %lt3A_333 = arith.constant 50 : i32
      %lt3A_334 = arith.cmpi slt, %add3A_332, %lt3A_333 : i32
      %convert_element_type3A_335 = arith.extui %lt3A_334 : i1 to i32
      %cond3A_336 = arith.constant 0 : i32
      %cond3A_337 = arith.cmpi ne, %convert_element_type3A_335, %cond3A_336 : i32
      scf.if %cond3A_337 {
        %add3A_418 = arith.constant 3 : i32
        %add3A_419 = arith.addi %add3A_299, %add3A_418 : i32
        %dma_start3A_420 = arith.constant 0 : i32
        %dma_start3A_421 = arith.constant 0 : i32
        %dma_start3A_422 = arith.constant 0 : i32
        %dma_start3A_423 = tpu.memref_slice %arg6[%dma_start3A_420, %dma_start3A_421, %dma_start3A_422] : memref<6x128x128xf32, #tpu.memory_space<vmem>> -> memref<1x128x128xf32, #tpu.memory_space<vmem>>
        %dma_start3A_424 = tpu.memref_squeeze %dma_start3A_423 : memref<1x128x128xf32, #tpu.memory_space<vmem>> -> memref<128x128xf32, #tpu.memory_space<vmem>>
        %dma_start3A_425 = arith.constant 0 : i32
        %dma_start3A_426 = tpu.memref_slice %arg5[%add3A_419, %dma_start3A_425] : memref<50x128xi32, #tpu.memory_space<vmem>> -> memref<1x128xi32, #tpu.memory_space<vmem>>
        %dma_start3A_427 = tpu.memref_squeeze %dma_start3A_426 : memref<1x128xi32, #tpu.memory_space<vmem>> -> memref<128xi32, #tpu.memory_space<vmem>>
        %dma_start3A_428 = arith.constant 0 : i32
        %dma_start3A_429 = arith.constant 0 : i32
        %dma_start3A_430 = tpu.memref_slice %arg3[%dma_start3A_428, %dma_start3A_429] : memref<100000x128xf32, #tpu.memory_space<hbm>> -> memref<100000x128xf32, #tpu.memory_space<hbm>>
        tpu.enqueue_indirect_dma source(%dma_start3A_430 : memref<100000x128xf32, #tpu.memory_space<hbm>>) target(%dma_start3A_424 : memref<128x128xf32, #tpu.memory_space<vmem>>) offsets(%dma_start3A_427 : memref<128xi32, #tpu.memory_space<vmem>>) semaphore(%arg7 : memref<!tpu.dma_semaphore, #tpu.memory_space<semaphore_mem>>)
      } else {
      }
      %add3A_338 = arith.constant 4 : i32
      %add3A_339 = arith.addi %add3A_181, %add3A_338 : i32
      %dma_wait3A_340 = arith.constant 4 : i32
      %dma_wait3A_341 = arith.constant 0 : i32
      %dma_wait3A_342 = arith.constant 0 : i32
      %dma_wait3A_343 = tpu.memref_slice %arg6[%dma_wait3A_340, %dma_wait3A_341, %dma_wait3A_342] : memref<6x128x128xf32, #tpu.memory_space<vmem>> -> memref<1x128x128xf32, #tpu.memory_space<vmem>>
      %dma_wait3A_344 = tpu.memref_squeeze %dma_wait3A_343 : memref<1x128x128xf32, #tpu.memory_space<vmem>> -> memref<128x128xf32, #tpu.memory_space<vmem>>
      %dma_wait3A_345 = arith.constant 0 : i32
      %dma_wait3A_346 = tpu.memref_slice %arg5[%add3A_339, %dma_wait3A_345] : memref<50x128xi32, #tpu.memory_space<vmem>> -> memref<1x128xi32, #tpu.memory_space<vmem>>
      %dma_wait3A_347 = tpu.memref_squeeze %dma_wait3A_346 : memref<1x128xi32, #tpu.memory_space<vmem>> -> memref<128xi32, #tpu.memory_space<vmem>>
      %dma_wait3A_348 = arith.constant 0 : i32
      %dma_wait3A_349 = arith.constant 0 : i32
      %dma_wait3A_350 = tpu.memref_slice %arg3[%dma_wait3A_348, %dma_wait3A_349] : memref<100000x128xf32, #tpu.memory_space<hbm>> -> memref<100000x128xf32, #tpu.memory_space<hbm>>
      tpu.wait_indirect_dma semaphore(%arg11 : memref<!tpu.dma_semaphore, #tpu.memory_space<semaphore_mem>>) src(%dma_wait3A_350 : memref<100000x128xf32, #tpu.memory_space<hbm>>) dst(%dma_wait3A_344 : memref<128x128xf32, #tpu.memory_space<vmem>>)
      %dma_start3A_351 = arith.constant 4 : i32
      %dma_start3A_352 = arith.constant 0 : i32
      %dma_start3A_353 = arith.constant 0 : i32
      %dma_start3A_354 = tpu.memref_slice %arg6[%dma_start3A_351, %dma_start3A_352, %dma_start3A_353] : memref<6x128x128xf32, #tpu.memory_space<vmem>> -> memref<1x128x128xf32, #tpu.memory_space<vmem>>
      %dma_start3A_355 = tpu.memref_squeeze %dma_start3A_354 : memref<1x128x128xf32, #tpu.memory_space<vmem>> -> memref<128x128xf32, #tpu.memory_space<vmem>>
      %dma_start3A_356 = arith.constant 0 : i32
      %dma_start3A_357 = tpu.memref_slice %arg4[%add3A_339, %mul3A_2, %dma_start3A_356] : memref<50x4096x128xf32, #tpu.memory_space<hbm>> -> memref<1x128x128xf32, #tpu.memory_space<hbm>>
      %dma_start3A_358 = tpu.memref_squeeze %dma_start3A_357 : memref<1x128x128xf32, #tpu.memory_space<hbm>> -> memref<128x128xf32, #tpu.memory_space<hbm>>
      %dma_start3A_359 = arith.constant 0 : i32
      %dma_start3A_360 = tpu.memref_slice %arg4[%add3A_339, %mul3A_2, %dma_start3A_359] : memref<50x4096x128xf32, #tpu.memory_space<hbm>> -> memref<1x128x128xf32, #tpu.memory_space<hbm>>
      %dma_start3A_361 = tpu.memref_squeeze %dma_start3A_360 : memref<1x128x128xf32, #tpu.memory_space<hbm>> -> memref<128x128xf32, #tpu.memory_space<hbm>>
      %dma_start3A_362 = arith.constant 0 : i32
      %dma_start3A_363 = arith.constant 0 : i32
      %dma_start3A_364 = tpu.memref_slice %arg6[%dma_start3A_351, %dma_start3A_362, %dma_start3A_363] : memref<6x128x128xf32, #tpu.memory_space<vmem>> -> memref<1x128x128xf32, #tpu.memory_space<vmem>>
      %dma_start3A_365 = tpu.memref_squeeze %dma_start3A_364 : memref<1x128x128xf32, #tpu.memory_space<vmem>> -> memref<128x128xf32, #tpu.memory_space<vmem>>
      tpu.enqueue_dma source(%dma_start3A_365 : memref<128x128xf32, #tpu.memory_space<vmem>>) target(%dma_start3A_361 : memref<128x128xf32, #tpu.memory_space<hbm>>) target_semaphore(%arg17 : memref<!tpu.dma_semaphore, #tpu.memory_space<semaphore_mem>>)
      %ge3A_366 = arith.constant 3 : i32
      %ge3A_367 = arith.cmpi sge, %add3A_339, %ge3A_366 : i32
      %convert_element_type3A_368 = arith.extui %ge3A_367 : i1 to i32
      %cond3A_369 = arith.constant 0 : i32
      %cond3A_370 = arith.cmpi ne, %convert_element_type3A_368, %cond3A_369 : i32
      scf.if %cond3A_370 {
        %sub3A = arith.constant 3 : i32
        %sub3A_418 = arith.subi %add3A_339, %sub3A : i32
        %dma_wait3A_419 = arith.constant 1 : i32
        %dma_wait3A_420 = arith.constant 0 : i32
        %dma_wait3A_421 = arith.constant 0 : i32
        %dma_wait3A_422 = tpu.memref_slice %arg6[%dma_wait3A_419, %dma_wait3A_420, %dma_wait3A_421] : memref<6x128x128xf32, #tpu.memory_space<vmem>> -> memref<1x128x128xf32, #tpu.memory_space<vmem>>
        %dma_wait3A_423 = tpu.memref_squeeze %dma_wait3A_422 : memref<1x128x128xf32, #tpu.memory_space<vmem>> -> memref<128x128xf32, #tpu.memory_space<vmem>>
        %dma_wait3A_424 = arith.constant 0 : i32
        %dma_wait3A_425 = tpu.memref_slice %arg4[%sub3A_418, %mul3A_2, %dma_wait3A_424] : memref<50x4096x128xf32, #tpu.memory_space<hbm>> -> memref<1x128x128xf32, #tpu.memory_space<hbm>>
        %dma_wait3A_426 = tpu.memref_squeeze %dma_wait3A_425 : memref<1x128x128xf32, #tpu.memory_space<hbm>> -> memref<128x128xf32, #tpu.memory_space<hbm>>
        %dma_wait3A_427 = arith.constant 0 : i32
        %dma_wait3A_428 = tpu.memref_slice %arg4[%sub3A_418, %mul3A_2, %dma_wait3A_427] : memref<50x4096x128xf32, #tpu.memory_space<hbm>> -> memref<1x128x128xf32, #tpu.memory_space<hbm>>
        %dma_wait3A_429 = tpu.memref_squeeze %dma_wait3A_428 : memref<1x128x128xf32, #tpu.memory_space<hbm>> -> memref<128x128xf32, #tpu.memory_space<hbm>>
        %dma_wait3A_430 = arith.constant 0 : i32
        %dma_wait3A_431 = arith.constant 0 : i32
        %dma_wait3A_432 = tpu.memref_slice %arg6[%dma_wait3A_419, %dma_wait3A_430, %dma_wait3A_431] : memref<6x128x128xf32, #tpu.memory_space<vmem>> -> memref<1x128x128xf32, #tpu.memory_space<vmem>>
        %dma_wait3A_433 = tpu.memref_squeeze %dma_wait3A_432 : memref<1x128x128xf32, #tpu.memory_space<vmem>> -> memref<128x128xf32, #tpu.memory_space<vmem>>
        tpu.wait_dma2 semaphore(%arg14 : memref<!tpu.dma_semaphore, #tpu.memory_space<semaphore_mem>>) src(%dma_wait3A_433 : memref<128x128xf32, #tpu.memory_space<vmem>>) dst(%dma_wait3A_429 : memref<128x128xf32, #tpu.memory_space<hbm>>)
      } else {
      }
      %add3A_371 = arith.constant 3 : i32
      %add3A_372 = arith.addi %add3A_339, %add3A_371 : i32
      %lt3A_373 = arith.constant 50 : i32
      %lt3A_374 = arith.cmpi slt, %add3A_372, %lt3A_373 : i32
      %convert_element_type3A_375 = arith.extui %lt3A_374 : i1 to i32
      %cond3A_376 = arith.constant 0 : i32
      %cond3A_377 = arith.cmpi ne, %convert_element_type3A_375, %cond3A_376 : i32
      scf.if %cond3A_377 {
        %add3A_418 = arith.constant 3 : i32
        %add3A_419 = arith.addi %add3A_339, %add3A_418 : i32
        %dma_start3A_420 = arith.constant 1 : i32
        %dma_start3A_421 = arith.constant 0 : i32
        %dma_start3A_422 = arith.constant 0 : i32
        %dma_start3A_423 = tpu.memref_slice %arg6[%dma_start3A_420, %dma_start3A_421, %dma_start3A_422] : memref<6x128x128xf32, #tpu.memory_space<vmem>> -> memref<1x128x128xf32, #tpu.memory_space<vmem>>
        %dma_start3A_424 = tpu.memref_squeeze %dma_start3A_423 : memref<1x128x128xf32, #tpu.memory_space<vmem>> -> memref<128x128xf32, #tpu.memory_space<vmem>>
        %dma_start3A_425 = arith.constant 0 : i32
        %dma_start3A_426 = tpu.memref_slice %arg5[%add3A_419, %dma_start3A_425] : memref<50x128xi32, #tpu.memory_space<vmem>> -> memref<1x128xi32, #tpu.memory_space<vmem>>
        %dma_start3A_427 = tpu.memref_squeeze %dma_start3A_426 : memref<1x128xi32, #tpu.memory_space<vmem>> -> memref<128xi32, #tpu.memory_space<vmem>>
        %dma_start3A_428 = arith.constant 0 : i32
        %dma_start3A_429 = arith.constant 0 : i32
        %dma_start3A_430 = tpu.memref_slice %arg3[%dma_start3A_428, %dma_start3A_429] : memref<100000x128xf32, #tpu.memory_space<hbm>> -> memref<100000x128xf32, #tpu.memory_space<hbm>>
        tpu.enqueue_indirect_dma source(%dma_start3A_430 : memref<100000x128xf32, #tpu.memory_space<hbm>>) target(%dma_start3A_424 : memref<128x128xf32, #tpu.memory_space<vmem>>) offsets(%dma_start3A_427 : memref<128xi32, #tpu.memory_space<vmem>>) semaphore(%arg8 : memref<!tpu.dma_semaphore, #tpu.memory_space<semaphore_mem>>)
      } else {
      }
      %add3A_378 = arith.constant 5 : i32
      %add3A_379 = arith.addi %add3A_181, %add3A_378 : i32
      %dma_wait3A_380 = arith.constant 5 : i32
      %dma_wait3A_381 = arith.constant 0 : i32
      %dma_wait3A_382 = arith.constant 0 : i32
      %dma_wait3A_383 = tpu.memref_slice %arg6[%dma_wait3A_380, %dma_wait3A_381, %dma_wait3A_382] : memref<6x128x128xf32, #tpu.memory_space<vmem>> -> memref<1x128x128xf32, #tpu.memory_space<vmem>>
      %dma_wait3A_384 = tpu.memref_squeeze %dma_wait3A_383 : memref<1x128x128xf32, #tpu.memory_space<vmem>> -> memref<128x128xf32, #tpu.memory_space<vmem>>
      %dma_wait3A_385 = arith.constant 0 : i32
      %dma_wait3A_386 = tpu.memref_slice %arg5[%add3A_379, %dma_wait3A_385] : memref<50x128xi32, #tpu.memory_space<vmem>> -> memref<1x128xi32, #tpu.memory_space<vmem>>
      %dma_wait3A_387 = tpu.memref_squeeze %dma_wait3A_386 : memref<1x128xi32, #tpu.memory_space<vmem>> -> memref<128xi32, #tpu.memory_space<vmem>>
      %dma_wait3A_388 = arith.constant 0 : i32
      %dma_wait3A_389 = arith.constant 0 : i32
      %dma_wait3A_390 = tpu.memref_slice %arg3[%dma_wait3A_388, %dma_wait3A_389] : memref<100000x128xf32, #tpu.memory_space<hbm>> -> memref<100000x128xf32, #tpu.memory_space<hbm>>
      tpu.wait_indirect_dma semaphore(%arg12 : memref<!tpu.dma_semaphore, #tpu.memory_space<semaphore_mem>>) src(%dma_wait3A_390 : memref<100000x128xf32, #tpu.memory_space<hbm>>) dst(%dma_wait3A_384 : memref<128x128xf32, #tpu.memory_space<vmem>>)
      %dma_start3A_391 = arith.constant 5 : i32
      %dma_start3A_392 = arith.constant 0 : i32
      %dma_start3A_393 = arith.constant 0 : i32
      %dma_start3A_394 = tpu.memref_slice %arg6[%dma_start3A_391, %dma_start3A_392, %dma_start3A_393] : memref<6x128x128xf32, #tpu.memory_space<vmem>> -> memref<1x128x128xf32, #tpu.memory_space<vmem>>
      %dma_start3A_395 = tpu.memref_squeeze %dma_start3A_394 : memref<1x128x128xf32, #tpu.memory_space<vmem>> -> memref<128x128xf32, #tpu.memory_space<vmem>>
      %dma_start3A_396 = arith.constant 0 : i32
      %dma_start3A_397 = tpu.memref_slice %arg4[%add3A_379, %mul3A_2, %dma_start3A_396] : memref<50x4096x128xf32, #tpu.memory_space<hbm>> -> memref<1x128x128xf32, #tpu.memory_space<hbm>>
      %dma_start3A_398 = tpu.memref_squeeze %dma_start3A_397 : memref<1x128x128xf32, #tpu.memory_space<hbm>> -> memref<128x128xf32, #tpu.memory_space<hbm>>
      %dma_start3A_399 = arith.constant 0 : i32
      %dma_start3A_400 = tpu.memref_slice %arg4[%add3A_379, %mul3A_2, %dma_start3A_399] : memref<50x4096x128xf32, #tpu.memory_space<hbm>> -> memref<1x128x128xf32, #tpu.memory_space<hbm>>
      %dma_start3A_401 = tpu.memref_squeeze %dma_start3A_400 : memref<1x128x128xf32, #tpu.memory_space<hbm>> -> memref<128x128xf32, #tpu.memory_space<hbm>>
      %dma_start3A_402 = arith.constant 0 : i32
      %dma_start3A_403 = arith.constant 0 : i32
      %dma_start3A_404 = tpu.memref_slice %arg6[%dma_start3A_391, %dma_start3A_402, %dma_start3A_403] : memref<6x128x128xf32, #tpu.memory_space<vmem>> -> memref<1x128x128xf32, #tpu.memory_space<vmem>>
      %dma_start3A_405 = tpu.memref_squeeze %dma_start3A_404 : memref<1x128x128xf32, #tpu.memory_space<vmem>> -> memref<128x128xf32, #tpu.memory_space<vmem>>
      tpu.enqueue_dma source(%dma_start3A_405 : memref<128x128xf32, #tpu.memory_space<vmem>>) target(%dma_start3A_401 : memref<128x128xf32, #tpu.memory_space<hbm>>) target_semaphore(%arg18 : memref<!tpu.dma_semaphore, #tpu.memory_space<semaphore_mem>>)
      %ge3A_406 = arith.constant 3 : i32
      %ge3A_407 = arith.cmpi sge, %add3A_379, %ge3A_406 : i32
      %convert_element_type3A_408 = arith.extui %ge3A_407 : i1 to i32
      %cond3A_409 = arith.constant 0 : i32
      %cond3A_410 = arith.cmpi ne, %convert_element_type3A_408, %cond3A_409 : i32
      scf.if %cond3A_410 {
        %sub3A = arith.constant 3 : i32
        %sub3A_418 = arith.subi %add3A_379, %sub3A : i32
        %dma_wait3A_419 = arith.constant 2 : i32
        %dma_wait3A_420 = arith.constant 0 : i32
        %dma_wait3A_421 = arith.constant 0 : i32
        %dma_wait3A_422 = tpu.memref_slice %arg6[%dma_wait3A_419, %dma_wait3A_420, %dma_wait3A_421] : memref<6x128x128xf32, #tpu.memory_space<vmem>> -> memref<1x128x128xf32, #tpu.memory_space<vmem>>
        %dma_wait3A_423 = tpu.memref_squeeze %dma_wait3A_422 : memref<1x128x128xf32, #tpu.memory_space<vmem>> -> memref<128x128xf32, #tpu.memory_space<vmem>>
        %dma_wait3A_424 = arith.constant 0 : i32
        %dma_wait3A_425 = tpu.memref_slice %arg4[%sub3A_418, %mul3A_2, %dma_wait3A_424] : memref<50x4096x128xf32, #tpu.memory_space<hbm>> -> memref<1x128x128xf32, #tpu.memory_space<hbm>>
        %dma_wait3A_426 = tpu.memref_squeeze %dma_wait3A_425 : memref<1x128x128xf32, #tpu.memory_space<hbm>> -> memref<128x128xf32, #tpu.memory_space<hbm>>
        %dma_wait3A_427 = arith.constant 0 : i32
        %dma_wait3A_428 = tpu.memref_slice %arg4[%sub3A_418, %mul3A_2, %dma_wait3A_427] : memref<50x4096x128xf32, #tpu.memory_space<hbm>> -> memref<1x128x128xf32, #tpu.memory_space<hbm>>
        %dma_wait3A_429 = tpu.memref_squeeze %dma_wait3A_428 : memref<1x128x128xf32, #tpu.memory_space<hbm>> -> memref<128x128xf32, #tpu.memory_space<hbm>>
        %dma_wait3A_430 = arith.constant 0 : i32
        %dma_wait3A_431 = arith.constant 0 : i32
        %dma_wait3A_432 = tpu.memref_slice %arg6[%dma_wait3A_419, %dma_wait3A_430, %dma_wait3A_431] : memref<6x128x128xf32, #tpu.memory_space<vmem>> -> memref<1x128x128xf32, #tpu.memory_space<vmem>>
        %dma_wait3A_433 = tpu.memref_squeeze %dma_wait3A_432 : memref<1x128x128xf32, #tpu.memory_space<vmem>> -> memref<128x128xf32, #tpu.memory_space<vmem>>
        tpu.wait_dma2 semaphore(%arg15 : memref<!tpu.dma_semaphore, #tpu.memory_space<semaphore_mem>>) src(%dma_wait3A_433 : memref<128x128xf32, #tpu.memory_space<vmem>>) dst(%dma_wait3A_429 : memref<128x128xf32, #tpu.memory_space<hbm>>)
      } else {
      }
      %add3A_411 = arith.constant 3 : i32
      %add3A_412 = arith.addi %add3A_379, %add3A_411 : i32
      %lt3A_413 = arith.constant 50 : i32
      %lt3A_414 = arith.cmpi slt, %add3A_412, %lt3A_413 : i32
      %convert_element_type3A_415 = arith.extui %lt3A_414 : i1 to i32
      %cond3A_416 = arith.constant 0 : i32
      %cond3A_417 = arith.cmpi ne, %convert_element_type3A_415, %cond3A_416 : i32
      scf.if %cond3A_417 {
        %add3A_418 = arith.constant 3 : i32
        %add3A_419 = arith.addi %add3A_379, %add3A_418 : i32
        %dma_start3A_420 = arith.constant 2 : i32
        %dma_start3A_421 = arith.constant 0 : i32
        %dma_start3A_422 = arith.constant 0 : i32
        %dma_start3A_423 = tpu.memref_slice %arg6[%dma_start3A_420, %dma_start3A_421, %dma_start3A_422] : memref<6x128x128xf32, #tpu.memory_space<vmem>> -> memref<1x128x128xf32, #tpu.memory_space<vmem>>
        %dma_start3A_424 = tpu.memref_squeeze %dma_start3A_423 : memref<1x128x128xf32, #tpu.memory_space<vmem>> -> memref<128x128xf32, #tpu.memory_space<vmem>>
        %dma_start3A_425 = arith.constant 0 : i32
        %dma_start3A_426 = tpu.memref_slice %arg5[%add3A_419, %dma_start3A_425] : memref<50x128xi32, #tpu.memory_space<vmem>> -> memref<1x128xi32, #tpu.memory_space<vmem>>
        %dma_start3A_427 = tpu.memref_squeeze %dma_start3A_426 : memref<1x128xi32, #tpu.memory_space<vmem>> -> memref<128xi32, #tpu.memory_space<vmem>>
        %dma_start3A_428 = arith.constant 0 : i32
        %dma_start3A_429 = arith.constant 0 : i32
        %dma_start3A_430 = tpu.memref_slice %arg3[%dma_start3A_428, %dma_start3A_429] : memref<100000x128xf32, #tpu.memory_space<hbm>> -> memref<100000x128xf32, #tpu.memory_space<hbm>>
        tpu.enqueue_indirect_dma source(%dma_start3A_430 : memref<100000x128xf32, #tpu.memory_space<hbm>>) target(%dma_start3A_424 : memref<128x128xf32, #tpu.memory_space<vmem>>) offsets(%dma_start3A_427 : memref<128xi32, #tpu.memory_space<vmem>>) semaphore(%arg9 : memref<!tpu.dma_semaphore, #tpu.memory_space<semaphore_mem>>)
      } else {
      }
    }
    %scan3A_41 = arith.constant 8 : i32
    %dma_wait3A = arith.constant 48 : i32
    %dma_wait3A_42 = arith.constant 0 : i32
    %dma_wait3A_43 = arith.constant 0 : i32
    %dma_wait3A_44 = arith.constant 0 : i32
    %dma_wait3A_45 = tpu.memref_slice %arg6[%dma_wait3A_42, %dma_wait3A_43, %dma_wait3A_44] : memref<6x128x128xf32, #tpu.memory_space<vmem>> -> memref<1x128x128xf32, #tpu.memory_space<vmem>>
    %dma_wait3A_46 = tpu.memref_squeeze %dma_wait3A_45 : memref<1x128x128xf32, #tpu.memory_space<vmem>> -> memref<128x128xf32, #tpu.memory_space<vmem>>
    %dma_wait3A_47 = arith.constant 0 : i32
    %dma_wait3A_48 = tpu.memref_slice %arg5[%dma_wait3A, %dma_wait3A_47] : memref<50x128xi32, #tpu.memory_space<vmem>> -> memref<1x128xi32, #tpu.memory_space<vmem>>
    %dma_wait3A_49 = tpu.memref_squeeze %dma_wait3A_48 : memref<1x128xi32, #tpu.memory_space<vmem>> -> memref<128xi32, #tpu.memory_space<vmem>>
    %dma_wait3A_50 = arith.constant 0 : i32
    %dma_wait3A_51 = arith.constant 0 : i32
    %dma_wait3A_52 = tpu.memref_slice %arg3[%dma_wait3A_50, %dma_wait3A_51] : memref<100000x128xf32, #tpu.memory_space<hbm>> -> memref<100000x128xf32, #tpu.memory_space<hbm>>
    tpu.wait_indirect_dma semaphore(%arg7 : memref<!tpu.dma_semaphore, #tpu.memory_space<semaphore_mem>>) src(%dma_wait3A_52 : memref<100000x128xf32, #tpu.memory_space<hbm>>) dst(%dma_wait3A_46 : memref<128x128xf32, #tpu.memory_space<vmem>>)
    %dma_start3A_53 = arith.constant 0 : i32
    %dma_start3A_54 = arith.constant 48 : i32
    %dma_start3A_55 = arith.constant 0 : i32
    %dma_start3A_56 = arith.constant 0 : i32
    %dma_start3A_57 = tpu.memref_slice %arg6[%dma_start3A_53, %dma_start3A_55, %dma_start3A_56] : memref<6x128x128xf32, #tpu.memory_space<vmem>> -> memref<1x128x128xf32, #tpu.memory_space<vmem>>
    %dma_start3A_58 = tpu.memref_squeeze %dma_start3A_57 : memref<1x128x128xf32, #tpu.memory_space<vmem>> -> memref<128x128xf32, #tpu.memory_space<vmem>>
    %dma_start3A_59 = arith.constant 0 : i32
    %dma_start3A_60 = tpu.memref_slice %arg4[%dma_start3A_54, %mul3A_2, %dma_start3A_59] : memref<50x4096x128xf32, #tpu.memory_space<hbm>> -> memref<1x128x128xf32, #tpu.memory_space<hbm>>
    %dma_start3A_61 = tpu.memref_squeeze %dma_start3A_60 : memref<1x128x128xf32, #tpu.memory_space<hbm>> -> memref<128x128xf32, #tpu.memory_space<hbm>>
    %dma_start3A_62 = arith.constant 0 : i32
    %dma_start3A_63 = tpu.memref_slice %arg4[%dma_start3A_54, %mul3A_2, %dma_start3A_62] : memref<50x4096x128xf32, #tpu.memory_space<hbm>> -> memref<1x128x128xf32, #tpu.memory_space<hbm>>
    %dma_start3A_64 = tpu.memref_squeeze %dma_start3A_63 : memref<1x128x128xf32, #tpu.memory_space<hbm>> -> memref<128x128xf32, #tpu.memory_space<hbm>>
    %dma_start3A_65 = arith.constant 0 : i32
    %dma_start3A_66 = arith.constant 0 : i32
    %dma_start3A_67 = tpu.memref_slice %arg6[%dma_start3A_53, %dma_start3A_65, %dma_start3A_66] : memref<6x128x128xf32, #tpu.memory_space<vmem>> -> memref<1x128x128xf32, #tpu.memory_space<vmem>>
    %dma_start3A_68 = tpu.memref_squeeze %dma_start3A_67 : memref<1x128x128xf32, #tpu.memory_space<vmem>> -> memref<128x128xf32, #tpu.memory_space<vmem>>
    tpu.enqueue_dma source(%dma_start3A_68 : memref<128x128xf32, #tpu.memory_space<vmem>>) target(%dma_start3A_64 : memref<128x128xf32, #tpu.memory_space<hbm>>) target_semaphore(%arg13 : memref<!tpu.dma_semaphore, #tpu.memory_space<semaphore_mem>>)
    %dma_wait3A_69 = arith.constant 3 : i32
    %dma_wait3A_70 = arith.constant 45 : i32
    %dma_wait3A_71 = arith.constant 0 : i32
    %dma_wait3A_72 = arith.constant 0 : i32
    %dma_wait3A_73 = tpu.memref_slice %arg6[%dma_wait3A_69, %dma_wait3A_71, %dma_wait3A_72] : memref<6x128x128xf32, #tpu.memory_space<vmem>> -> memref<1x128x128xf32, #tpu.memory_space<vmem>>
    %dma_wait3A_74 = tpu.memref_squeeze %dma_wait3A_73 : memref<1x128x128xf32, #tpu.memory_space<vmem>> -> memref<128x128xf32, #tpu.memory_space<vmem>>
    %dma_wait3A_75 = arith.constant 0 : i32
    %dma_wait3A_76 = tpu.memref_slice %arg4[%dma_wait3A_70, %mul3A_2, %dma_wait3A_75] : memref<50x4096x128xf32, #tpu.memory_space<hbm>> -> memref<1x128x128xf32, #tpu.memory_space<hbm>>
    %dma_wait3A_77 = tpu.memref_squeeze %dma_wait3A_76 : memref<1x128x128xf32, #tpu.memory_space<hbm>> -> memref<128x128xf32, #tpu.memory_space<hbm>>
    %dma_wait3A_78 = arith.constant 0 : i32
    %dma_wait3A_79 = tpu.memref_slice %arg4[%dma_wait3A_70, %mul3A_2, %dma_wait3A_78] : memref<50x4096x128xf32, #tpu.memory_space<hbm>> -> memref<1x128x128xf32, #tpu.memory_space<hbm>>
    %dma_wait3A_80 = tpu.memref_squeeze %dma_wait3A_79 : memref<1x128x128xf32, #tpu.memory_space<hbm>> -> memref<128x128xf32, #tpu.memory_space<hbm>>
    %dma_wait3A_81 = arith.constant 0 : i32
    %dma_wait3A_82 = arith.constant 0 : i32
    %dma_wait3A_83 = tpu.memref_slice %arg6[%dma_wait3A_69, %dma_wait3A_81, %dma_wait3A_82] : memref<6x128x128xf32, #tpu.memory_space<vmem>> -> memref<1x128x128xf32, #tpu.memory_space<vmem>>
    %dma_wait3A_84 = tpu.memref_squeeze %dma_wait3A_83 : memref<1x128x128xf32, #tpu.memory_space<vmem>> -> memref<128x128xf32, #tpu.memory_space<vmem>>
    tpu.wait_dma2 semaphore(%arg16 : memref<!tpu.dma_semaphore, #tpu.memory_space<semaphore_mem>>) src(%dma_wait3A_84 : memref<128x128xf32, #tpu.memory_space<vmem>>) dst(%dma_wait3A_80 : memref<128x128xf32, #tpu.memory_space<hbm>>)
    %dma_wait3A_85 = arith.constant 49 : i32
    %dma_wait3A_86 = arith.constant 1 : i32
    %dma_wait3A_87 = arith.constant 0 : i32
    %dma_wait3A_88 = arith.constant 0 : i32
    %dma_wait3A_89 = tpu.memref_slice %arg6[%dma_wait3A_86, %dma_wait3A_87, %dma_wait3A_88] : memref<6x128x128xf32, #tpu.memory_space<vmem>> -> memref<1x128x128xf32, #tpu.memory_space<vmem>>
    %dma_wait3A_90 = tpu.memref_squeeze %dma_wait3A_89 : memref<1x128x128xf32, #tpu.memory_space<vmem>> -> memref<128x128xf32, #tpu.memory_space<vmem>>
    %dma_wait3A_91 = arith.constant 0 : i32
    %dma_wait3A_92 = tpu.memref_slice %arg5[%dma_wait3A_85, %dma_wait3A_91] : memref<50x128xi32, #tpu.memory_space<vmem>> -> memref<1x128xi32, #tpu.memory_space<vmem>>
    %dma_wait3A_93 = tpu.memref_squeeze %dma_wait3A_92 : memref<1x128xi32, #tpu.memory_space<vmem>> -> memref<128xi32, #tpu.memory_space<vmem>>
    %dma_wait3A_94 = arith.constant 0 : i32
    %dma_wait3A_95 = arith.constant 0 : i32
    %dma_wait3A_96 = tpu.memref_slice %arg3[%dma_wait3A_94, %dma_wait3A_95] : memref<100000x128xf32, #tpu.memory_space<hbm>> -> memref<100000x128xf32, #tpu.memory_space<hbm>>
    tpu.wait_indirect_dma semaphore(%arg8 : memref<!tpu.dma_semaphore, #tpu.memory_space<semaphore_mem>>) src(%dma_wait3A_96 : memref<100000x128xf32, #tpu.memory_space<hbm>>) dst(%dma_wait3A_90 : memref<128x128xf32, #tpu.memory_space<vmem>>)
    %dma_start3A_97 = arith.constant 1 : i32
    %dma_start3A_98 = arith.constant 49 : i32
    %dma_start3A_99 = arith.constant 0 : i32
    %dma_start3A_100 = arith.constant 0 : i32
    %dma_start3A_101 = tpu.memref_slice %arg6[%dma_start3A_97, %dma_start3A_99, %dma_start3A_100] : memref<6x128x128xf32, #tpu.memory_space<vmem>> -> memref<1x128x128xf32, #tpu.memory_space<vmem>>
    %dma_start3A_102 = tpu.memref_squeeze %dma_start3A_101 : memref<1x128x128xf32, #tpu.memory_space<vmem>> -> memref<128x128xf32, #tpu.memory_space<vmem>>
    %dma_start3A_103 = arith.constant 0 : i32
    %dma_start3A_104 = tpu.memref_slice %arg4[%dma_start3A_98, %mul3A_2, %dma_start3A_103] : memref<50x4096x128xf32, #tpu.memory_space<hbm>> -> memref<1x128x128xf32, #tpu.memory_space<hbm>>
    %dma_start3A_105 = tpu.memref_squeeze %dma_start3A_104 : memref<1x128x128xf32, #tpu.memory_space<hbm>> -> memref<128x128xf32, #tpu.memory_space<hbm>>
    %dma_start3A_106 = arith.constant 0 : i32
    %dma_start3A_107 = tpu.memref_slice %arg4[%dma_start3A_98, %mul3A_2, %dma_start3A_106] : memref<50x4096x128xf32, #tpu.memory_space<hbm>> -> memref<1x128x128xf32, #tpu.memory_space<hbm>>
    %dma_start3A_108 = tpu.memref_squeeze %dma_start3A_107 : memref<1x128x128xf32, #tpu.memory_space<hbm>> -> memref<128x128xf32, #tpu.memory_space<hbm>>
    %dma_start3A_109 = arith.constant 0 : i32
    %dma_start3A_110 = arith.constant 0 : i32
    %dma_start3A_111 = tpu.memref_slice %arg6[%dma_start3A_97, %dma_start3A_109, %dma_start3A_110] : memref<6x128x128xf32, #tpu.memory_space<vmem>> -> memref<1x128x128xf32, #tpu.memory_space<vmem>>
    %dma_start3A_112 = tpu.memref_squeeze %dma_start3A_111 : memref<1x128x128xf32, #tpu.memory_space<vmem>> -> memref<128x128xf32, #tpu.memory_space<vmem>>
    tpu.enqueue_dma source(%dma_start3A_112 : memref<128x128xf32, #tpu.memory_space<vmem>>) target(%dma_start3A_108 : memref<128x128xf32, #tpu.memory_space<hbm>>) target_semaphore(%arg14 : memref<!tpu.dma_semaphore, #tpu.memory_space<semaphore_mem>>)
    %dma_wait3A_113 = arith.constant 4 : i32
    %dma_wait3A_114 = arith.constant 46 : i32
    %dma_wait3A_115 = arith.constant 0 : i32
    %dma_wait3A_116 = arith.constant 0 : i32
    %dma_wait3A_117 = tpu.memref_slice %arg6[%dma_wait3A_113, %dma_wait3A_115, %dma_wait3A_116] : memref<6x128x128xf32, #tpu.memory_space<vmem>> -> memref<1x128x128xf32, #tpu.memory_space<vmem>>
    %dma_wait3A_118 = tpu.memref_squeeze %dma_wait3A_117 : memref<1x128x128xf32, #tpu.memory_space<vmem>> -> memref<128x128xf32, #tpu.memory_space<vmem>>
    %dma_wait3A_119 = arith.constant 0 : i32
    %dma_wait3A_120 = tpu.memref_slice %arg4[%dma_wait3A_114, %mul3A_2, %dma_wait3A_119] : memref<50x4096x128xf32, #tpu.memory_space<hbm>> -> memref<1x128x128xf32, #tpu.memory_space<hbm>>
    %dma_wait3A_121 = tpu.memref_squeeze %dma_wait3A_120 : memref<1x128x128xf32, #tpu.memory_space<hbm>> -> memref<128x128xf32, #tpu.memory_space<hbm>>
    %dma_wait3A_122 = arith.constant 0 : i32
    %dma_wait3A_123 = tpu.memref_slice %arg4[%dma_wait3A_114, %mul3A_2, %dma_wait3A_122] : memref<50x4096x128xf32, #tpu.memory_space<hbm>> -> memref<1x128x128xf32, #tpu.memory_space<hbm>>
    %dma_wait3A_124 = tpu.memref_squeeze %dma_wait3A_123 : memref<1x128x128xf32, #tpu.memory_space<hbm>> -> memref<128x128xf32, #tpu.memory_space<hbm>>
    %dma_wait3A_125 = arith.constant 0 : i32
    %dma_wait3A_126 = arith.constant 0 : i32
    %dma_wait3A_127 = tpu.memref_slice %arg6[%dma_wait3A_113, %dma_wait3A_125, %dma_wait3A_126] : memref<6x128x128xf32, #tpu.memory_space<vmem>> -> memref<1x128x128xf32, #tpu.memory_space<vmem>>
    %dma_wait3A_128 = tpu.memref_squeeze %dma_wait3A_127 : memref<1x128x128xf32, #tpu.memory_space<vmem>> -> memref<128x128xf32, #tpu.memory_space<vmem>>
    tpu.wait_dma2 semaphore(%arg17 : memref<!tpu.dma_semaphore, #tpu.memory_space<semaphore_mem>>) src(%dma_wait3A_128 : memref<128x128xf32, #tpu.memory_space<vmem>>) dst(%dma_wait3A_124 : memref<128x128xf32, #tpu.memory_space<hbm>>)
    %dma_wait3A_129 = arith.constant 5 : i32
    %dma_wait3A_130 = arith.constant 47 : i32
    %dma_wait3A_131 = arith.constant 0 : i32
    %dma_wait3A_132 = arith.constant 0 : i32
    %dma_wait3A_133 = tpu.memref_slice %arg6[%dma_wait3A_129, %dma_wait3A_131, %dma_wait3A_132] : memref<6x128x128xf32, #tpu.memory_space<vmem>> -> memref<1x128x128xf32, #tpu.memory_space<vmem>>
    %dma_wait3A_134 = tpu.memref_squeeze %dma_wait3A_133 : memref<1x128x128xf32, #tpu.memory_space<vmem>> -> memref<128x128xf32, #tpu.memory_space<vmem>>
    %dma_wait3A_135 = arith.constant 0 : i32
    %dma_wait3A_136 = tpu.memref_slice %arg4[%dma_wait3A_130, %mul3A_2, %dma_wait3A_135] : memref<50x4096x128xf32, #tpu.memory_space<hbm>> -> memref<1x128x128xf32, #tpu.memory_space<hbm>>
    %dma_wait3A_137 = tpu.memref_squeeze %dma_wait3A_136 : memref<1x128x128xf32, #tpu.memory_space<hbm>> -> memref<128x128xf32, #tpu.memory_space<hbm>>
    %dma_wait3A_138 = arith.constant 0 : i32
    %dma_wait3A_139 = tpu.memref_slice %arg4[%dma_wait3A_130, %mul3A_2, %dma_wait3A_138] : memref<50x4096x128xf32, #tpu.memory_space<hbm>> -> memref<1x128x128xf32, #tpu.memory_space<hbm>>
    %dma_wait3A_140 = tpu.memref_squeeze %dma_wait3A_139 : memref<1x128x128xf32, #tpu.memory_space<hbm>> -> memref<128x128xf32, #tpu.memory_space<hbm>>
    %dma_wait3A_141 = arith.constant 0 : i32
    %dma_wait3A_142 = arith.constant 0 : i32
    %dma_wait3A_143 = tpu.memref_slice %arg6[%dma_wait3A_129, %dma_wait3A_141, %dma_wait3A_142] : memref<6x128x128xf32, #tpu.memory_space<vmem>> -> memref<1x128x128xf32, #tpu.memory_space<vmem>>
    %dma_wait3A_144 = tpu.memref_squeeze %dma_wait3A_143 : memref<1x128x128xf32, #tpu.memory_space<vmem>> -> memref<128x128xf32, #tpu.memory_space<vmem>>
    tpu.wait_dma2 semaphore(%arg18 : memref<!tpu.dma_semaphore, #tpu.memory_space<semaphore_mem>>) src(%dma_wait3A_144 : memref<128x128xf32, #tpu.memory_space<vmem>>) dst(%dma_wait3A_140 : memref<128x128xf32, #tpu.memory_space<hbm>>)
    %dma_wait3A_145 = arith.constant 0 : i32
    %dma_wait3A_146 = arith.constant 48 : i32
    %dma_wait3A_147 = arith.constant 0 : i32
    %dma_wait3A_148 = arith.constant 0 : i32
    %dma_wait3A_149 = tpu.memref_slice %arg6[%dma_wait3A_145, %dma_wait3A_147, %dma_wait3A_148] : memref<6x128x128xf32, #tpu.memory_space<vmem>> -> memref<1x128x128xf32, #tpu.memory_space<vmem>>
    %dma_wait3A_150 = tpu.memref_squeeze %dma_wait3A_149 : memref<1x128x128xf32, #tpu.memory_space<vmem>> -> memref<128x128xf32, #tpu.memory_space<vmem>>
    %dma_wait3A_151 = arith.constant 0 : i32
    %dma_wait3A_152 = tpu.memref_slice %arg4[%dma_wait3A_146, %mul3A_2, %dma_wait3A_151] : memref<50x4096x128xf32, #tpu.memory_space<hbm>> -> memref<1x128x128xf32, #tpu.memory_space<hbm>>
    %dma_wait3A_153 = tpu.memref_squeeze %dma_wait3A_152 : memref<1x128x128xf32, #tpu.memory_space<hbm>> -> memref<128x128xf32, #tpu.memory_space<hbm>>
    %dma_wait3A_154 = arith.constant 0 : i32
    %dma_wait3A_155 = tpu.memref_slice %arg4[%dma_wait3A_146, %mul3A_2, %dma_wait3A_154] : memref<50x4096x128xf32, #tpu.memory_space<hbm>> -> memref<1x128x128xf32, #tpu.memory_space<hbm>>
    %dma_wait3A_156 = tpu.memref_squeeze %dma_wait3A_155 : memref<1x128x128xf32, #tpu.memory_space<hbm>> -> memref<128x128xf32, #tpu.memory_space<hbm>>
    %dma_wait3A_157 = arith.constant 0 : i32
    %dma_wait3A_158 = arith.constant 0 : i32
    %dma_wait3A_159 = tpu.memref_slice %arg6[%dma_wait3A_145, %dma_wait3A_157, %dma_wait3A_158] : memref<6x128x128xf32, #tpu.memory_space<vmem>> -> memref<1x128x128xf32, #tpu.memory_space<vmem>>
    %dma_wait3A_160 = tpu.memref_squeeze %dma_wait3A_159 : memref<1x128x128xf32, #tpu.memory_space<vmem>> -> memref<128x128xf32, #tpu.memory_space<vmem>>
    tpu.wait_dma2 semaphore(%arg13 : memref<!tpu.dma_semaphore, #tpu.memory_space<semaphore_mem>>) src(%dma_wait3A_160 : memref<128x128xf32, #tpu.memory_space<vmem>>) dst(%dma_wait3A_156 : memref<128x128xf32, #tpu.memory_space<hbm>>)
    %dma_wait3A_161 = arith.constant 1 : i32
    %dma_wait3A_162 = arith.constant 49 : i32
    %dma_wait3A_163 = arith.constant 0 : i32
    %dma_wait3A_164 = arith.constant 0 : i32
    %dma_wait3A_165 = tpu.memref_slice %arg6[%dma_wait3A_161, %dma_wait3A_163, %dma_wait3A_164] : memref<6x128x128xf32, #tpu.memory_space<vmem>> -> memref<1x128x128xf32, #tpu.memory_space<vmem>>
    %dma_wait3A_166 = tpu.memref_squeeze %dma_wait3A_165 : memref<1x128x128xf32, #tpu.memory_space<vmem>> -> memref<128x128xf32, #tpu.memory_space<vmem>>
    %dma_wait3A_167 = arith.constant 0 : i32
    %dma_wait3A_168 = tpu.memref_slice %arg4[%dma_wait3A_162, %mul3A_2, %dma_wait3A_167] : memref<50x4096x128xf32, #tpu.memory_space<hbm>> -> memref<1x128x128xf32, #tpu.memory_space<hbm>>
    %dma_wait3A_169 = tpu.memref_squeeze %dma_wait3A_168 : memref<1x128x128xf32, #tpu.memory_space<hbm>> -> memref<128x128xf32, #tpu.memory_space<hbm>>
    %dma_wait3A_170 = arith.constant 0 : i32
    %dma_wait3A_171 = tpu.memref_slice %arg4[%dma_wait3A_162, %mul3A_2, %dma_wait3A_170] : memref<50x4096x128xf32, #tpu.memory_space<hbm>> -> memref<1x128x128xf32, #tpu.memory_space<hbm>>
    %dma_wait3A_172 = tpu.memref_squeeze %dma_wait3A_171 : memref<1x128x128xf32, #tpu.memory_space<hbm>> -> memref<128x128xf32, #tpu.memory_space<hbm>>
    %dma_wait3A_173 = arith.constant 0 : i32
    %dma_wait3A_174 = arith.constant 0 : i32
    %dma_wait3A_175 = tpu.memref_slice %arg6[%dma_wait3A_161, %dma_wait3A_173, %dma_wait3A_174] : memref<6x128x128xf32, #tpu.memory_space<vmem>> -> memref<1x128x128xf32, #tpu.memory_space<vmem>>
    %dma_wait3A_176 = tpu.memref_squeeze %dma_wait3A_175 : memref<1x128x128xf32, #tpu.memory_space<vmem>> -> memref<128x128xf32, #tpu.memory_space<vmem>>
    tpu.wait_dma2 semaphore(%arg14 : memref<!tpu.dma_semaphore, #tpu.memory_space<semaphore_mem>>) src(%dma_wait3A_176 : memref<128x128xf32, #tpu.memory_space<vmem>>) dst(%dma_wait3A_172 : memref<128x128xf32, #tpu.memory_space<hbm>>)
    return
  }
}

</mosaic_0001>

<sc_bundles>
// kernel: kernel.3.cloned.1.call-start
scs
__scs_entry_jumppad:
0x0: {  	(pc) =	sbr.rel $0x88, $3  }
0x1: {  	(tag) =	ssettag $0x0;
	lr =	simm.s32 $0x1  }
0x2: {  	[smem:$0x3F9F] =	sst lr;
	_ =	strace $0xD0000000  }
0x3: {  	_ = 	snop  }
0x4: {  	_ = 	snop  }
0x5: {  	_ = 	snop  }
0x6: {  	_ = 	snop  }
0x7: {  	_ = 	snop  }
__scs_overlays_trampoline_lowered:
0x8: {  	[smem:$0x3FAE] =	sst s0  }
0x9: {  	[smem:$0x3FAF] =	sst s1  }
0xa: {  	[smem:$0x3FB0] =	sst s2  }
0xb: {  	[smem:$0x3FB1] =	sst s3  }
0xc: {  	[smem:$0x3FB2] =	sst s4  }
0xd: {  	[smem:$0x3FB3] =	sst s5  }
0xe: {  	[smem:$0x3FB4] =	sst s6  }
0xf: {  	[smem:$0x3FB5] =	sst s7  }
0x10: {  	[smem:$0x3FB6] =	sst s8  }
0x11: {  	[smem:$0x3FB7] =	sst s9;
	s0 =	simm.s32 @!p0 $0x0  }
0x12: {  	s1 =	sld [smem:$0x3F9D];
	s0 =	simm.s32 @p0 $0x1  }
0x13: {  	[smem:$0x3FB8] =	sst s0;
	s0 =	simm.s32 @!p1 $0x0  }
0x14: {  	s2 =	sld [smem:$0x3F9C];
	s0 =	simm.s32 @p1 $0x1  }
0x15: {  	[smem:$0x3FB9] =	sst s0;
	s0 =	simm.s32 @!p2 $0x0  }
0x16: {  	s3 =	sld [smem:$0x3FDB];
	s0 =	simm.s32 @p2 $0x1  }
0x17: {  	s4 =	simm.s32 $0x1BF5;
	[smem:$0x3FBB] =	sst s0  }
0x18: {  	s0 =	sld [smem:$0x3F9E];
	_ =	swait.ge [sflag:s4], $0x0  }
0x19: {  	s7 =	sld [smem:$0x3F9F]  }
0x1a: {  	s8 =	sadd.s32 $0xFFFFE003, lr  }
0x1b: {  	s9 =	sadd.s32 $0xFFFFFEF7, lr;
	s5 =	simm.s32 $0xFFFFFFFF;
	p2 =	slt.u32 s8, $0xFFFFF086  }
0x1c: {  	p1 =	slt.u32 s9, $0xF7A;
	s5 =	simm.s32 @!p2 $0x0  }
0x1d: {  	s5 =	simm.s32 @p1 $0x1;
	p0 =	seq.s32 s7, s2  }
0x1e: {  	s7 =	smul.u32 @!p0 $0xF7A, s2;
	p2 =	seq.s32 @!p0 s5, $0x0  }
0x1f: {  	s9 =	smul.u32 $0xF7A, s1;
	s8 =	simm.s32 @!p0 $0x1BF5;
	p2 =	por !p2, p0  }
0x20: {  	[sflag:s8] =	ssyncset.s32 @!p0 $0xFFFFF086;
	s6 =	sadd.s32 @!p0 s3, s7;
	s7 =	simm.s32 @!p0 $0x108  }
0x21: {  	s3 =	sadd.s32 s3, s9;
	s6 =	sadd.s32 @!p0 $0x88, s6;
	s7 =	simm.s32 @p2 $0x1082  }
0x22: {  	[simem:s7], [sflag:s8] =	dma.local @!p0 [hbm:s6], $0xF7A  }
0x23: {  	s9 =	sor.u32 $0xD0000000, s2;
	s6 =	simm.s32 $0x108;
	_ =	swait.ge @!p0 [sflag:s8], $0x0  }
0x24: {  	s3 =	sadd.s32 $0x88, s3;
	s6 =	simm.s32 @!p1 $0x1082;
	[sflag:s4] =	ssyncset.s32 $0xFFFFF086  }
0x25: {  	[simem:s6], [sflag:s4] =	dma.local [hbm:s3], $0xF7A  }
0x26: {  	[smem:$0x3F9F] =	sst s1;
	(tag) =	ssettag s2;
	_ =	strace s9  }
0x27: {  	s1 =	sld [smem:$0x3FAF]  }
0x28: {  	s2 =	sld [smem:$0x3FB0]  }
0x29: {  	s4 =	sld [smem:$0x3FB2]  }
0x2a: {  	p0 =	seq.s32 s5, $0x0;
	s5 =	sld [smem:$0x3FB3]  }
0x2b: {  	s6 =	sld [smem:$0x3FB4]  }
0x2c: {  	s7 =	sld [smem:$0x3FB5]  }
0x2d: {  	s3 =	simm.s32 $0x108;
	s8 =	sld [smem:$0x3FB6]  }
0x2e: {  	s3 =	simm.s32 @!p0 $0x1082;
	s9 =	sld [smem:$0x3FB7]  }
0x2f: {  	lr =	sadd.s32 s0, s3;
	s0 =	sld [smem:$0x3FAE]  }
0x30: {  	s3 =	sld [smem:$0x3FB1]  }
0x31: {  	[smem:$0x3FBA] =	sst s10  }
0x32: {  	s10 =	sld [smem:$0x3FB8];
	_ =	sdelay $0x3  }
0x33: {  	p0 =	seq.s32 s10, $0x1;
	s10 =	sld [smem:$0x3FBA];
	_ =	sdelay $0x3  }
0x34: {  	[smem:$0x3FBA] =	sst s10  }
0x35: {  	s10 =	sld [smem:$0x3FB9];
	_ =	sdelay $0x3  }
0x36: {  	p1 =	seq.s32 s10, $0x1;
	s10 =	sld [smem:$0x3FBA];
	_ =	sdelay $0x3  }
0x37: {  	[smem:$0x3FBA] =	sst s10  }
0x38: {  	s10 =	sld [smem:$0x3FBB]  }
0x39: {  	_ = 	snop;
	(pc) =	sbr.ind lr, $3  }
0x3a: {  	_ = 	snop  }
0x3b: {  	_ = 	snop  }
0x3c: {  	p2 =	seq.s32 s10, $0x1;
	s10 =	sld [smem:$0x3FBA]  }
0x3d: {  	_ =	shalt  }
0x3e: {  	_ =	shalt  }
0x3f: {  	_ =	shalt  }
0x40: {  	_ =	shalt  }
0x41: {  	_ =	shalt  }
0x42: {  	_ =	shalt  }
0x43: {  	_ =	shalt  }
0x44: {  	_ =	shalt  }
0x45: {  	_ =	shalt  }
0x46: {  	_ =	shalt  }
0x47: {  	_ =	shalt  }
0x48: {  	_ =	shalt  }
0x49: {  	_ =	shalt  }
0x4a: {  	_ =	shalt  }
0x4b: {  	_ =	shalt  }
0x4c: {  	_ =	shalt  }
0x4d: {  	_ =	shalt  }
0x4e: {  	_ =	shalt  }
0x4f: {  	_ =	shalt  }
0x50: {  	_ =	shalt  }
0x51: {  	_ =	shalt  }
0x52: {  	_ =	shalt  }
0x53: {  	_ =	shalt  }
0x54: {  	_ =	shalt  }
0x55: {  	_ =	shalt  }
0x56: {  	_ =	shalt  }
0x57: {  	_ =	shalt  }
0x58: {  	_ =	shalt  }
0x59: {  	_ =	shalt  }
0x5a: {  	_ =	shalt  }
0x5b: {  	_ =	shalt  }
0x5c: {  	_ =	shalt  }
0x5d: {  	_ =	shalt  }
0x5e: {  	_ =	shalt  }
0x5f: {  	_ =	shalt  }
0x60: {  	_ =	shalt  }
0x61: {  	_ =	shalt  }
0x62: {  	_ =	shalt  }
0x63: {  	_ =	shalt  }
0x64: {  	_ =	shalt  }
0x65: {  	_ =	shalt  }
0x66: {  	_ =	shalt  }
0x67: {  	_ =	shalt  }
0x68: {  	_ =	shalt  }
0x69: {  	_ =	shalt  }
0x6a: {  	_ =	shalt  }
0x6b: {  	_ =	shalt  }
0x6c: {  	_ =	shalt  }
0x6d: {  	_ =	shalt  }
0x6e: {  	_ =	shalt  }
0x6f: {  	_ =	shalt  }
0x70: {  	_ =	shalt  }
0x71: {  	_ =	shalt  }
0x72: {  	_ =	shalt  }
0x73: {  	_ =	shalt  }
0x74: {  	_ =	shalt  }
0x75: {  	_ =	shalt  }
0x76: {  	_ =	shalt  }
0x77: {  	_ =	shalt  }
0x78: {  	_ =	shalt  }
0x79: {  	_ =	shalt  }
0x7a: {  	_ =	shalt  }
0x7b: {  	_ =	shalt  }
0x7c: {  	_ =	shalt  }
0x7d: {  	_ =	shalt  }
0x7e: {  	_ =	shalt  }
0x7f: {  	_ =	shalt  }
0x80: {  	_ =	shalt  }
0x81: {  	_ =	shalt  }
0x82: {  	_ =	shalt  }
0x83: {  	_ =	shalt  }
0x84: {  	_ =	shalt  }
0x85: {  	_ =	shalt  }
0x86: {  	_ =	shalt  }
0x87: {  	_ =	shalt  }
.Lfunc_end0:
.L_simem_size_0:
called_computation_lowered:
.L_overlay_start_0:
0x88: {  	s2 =	sld [smem:$0x3FD9]  }
0x89: {  	s3 =	sld [smem:$0x3FFE];
	_ =	sdelay $0x1  }
0x8a: {  	s1 =	srdreg.scid  }
0x8b: {  	s0 =	sand.u32 $0x1, s1  }
0x8c: {  	s18 =	sshll.u32 s0, $0xA;
	s2 =	sadd.s32 s3, s2  }
0x8d: {  	s2 =	sadd.s32 s2, s18  }
0x8e: {  	[smem:$0x3FC6] =	sst s2  }
0x8f: {  	_ = 	snop  }
0x90: {  	s2 =	sld [smem:$0x3FC9]  }
0x91: {  	s19 =	sld [smem:$0x3FC8]  }
0x92: {  	s4 =	sld [smem:$0x3FD0];
	(tm) =	ssettm $0x1  }
0x93: {  	s5 =	sld [smem:$0x3FFB];
	_ =	sdelay $0x3  }
0x94: {  	_ =	strace s5  }
0x95: {  	s5 =	sld [smem:$0x3FFC];
	_ =	sdelay $0x3  }
0x96: {  	_ =	strace s5  }
0x97: {  	s5 =	sld [smem:$0x3FFD];
	_ =	sdelay $0x3  }
0x98: {  	_ =	strace s5  }
0x99: {  	_ =	strace $0x8FFFFFFF  }
0x9a: {  	s20 =	sld [smem:$0x3FDB];
	_ =	sdelay $0x1  }
0x9b: {  	s6 =	simm.s32 $_scs_section_size  }
0x9c: {  	s7 =	simm.s32 $_size__tile_overlayer_lowered;
	s8 =	simm.s32 $_tile_overlayer_lowered  }
0x9d: {  	s23 =	simm.s32 $0x1BFF;
	s22 =	sshll.u32 s8, $0x1;
	s5 =	sadd.s32 s6, s20  }
0x9e: {  	s9 =	simm.s32 $0x0;
	s21 =	sshll.u32 s7, $0x1;
	s7 =	sadd.s32 s22, s5  }
0x9f: {  	[timem:s9], [sflag:s23] =	dma.local [hbm:s7], s21  }
0xa0: {  	_ =	swait.ge [sflag:s23], s21  }
0xa1: {  	s6 =	ssub.s32 $0x0, s21;
	[sflag:s23] =	ssyncset.done $0x0  }
0xa2: {  	[sflag:s23] =	ssyncadd.s32 s6;
	_ =	sdelay $0x1  }
0xa3: {  	s24 =	simm.s32 $0x1B8B  }
0xa4: {  	_ =	swait.ge [sflag:s24], $0x1  }
0xa5: {  	[sflag:s24] =	ssyncset.done $0x0  }
0xa6: {  	s25 =	simm.s32 $0x1B8E;
	[sflag:s24] =	ssyncadd.s32 $0xFFFFFFFF  }
0xa7: {  	s26 =	simm.s32 $execute0_lowered;
	[smem:$0x3FD2] =	sst s25  }
0xa8: {  	s6 =	sshll.u32 s26, $0x1;
	_ =	strace $0x80000046;
	[dreg:$0x1] =	wrdreg $0xFFFFFFFF  }
0xa9: {  	s28 =	simm.s32 $_size_execute0_lowered;
	s5 =	sadd.s32 s5, s6;
	[dreg:$0x0] =	wrdreg $0x0  }
0xaa: {  	s6 =	sshll.u32 s28, $0x1;
	[dreg:$0x2] =	wrdreg s5  }
0xab: {  	[dreg:$0x3] =	wrdreg s6  }
0xac: {  	[dreg:$0x4] =	wrdreg $0xC0  }
0xad: {  	_ =	task [dreg:s9], $0x5FFFF  }
0xae: {  	[dreg:$0x1] =	wrdreg $0xFFFFFFFF  }
0xaf: {  	[dreg:$0x0] =	wrdreg $0x60  }
0xb0: {  	[dreg:$0x2] =	wrdreg s2  }
0xb1: {  	[dreg:$0x3] =	wrdreg s19  }
0xb2: {  	[dreg:$0x4] =	wrdreg s4  }
0xb3: {  	[dreg:$0x5] =	wrdreg $0x9  }
0xb4: {  	_ =	task.clear_ibuf [dreg:s9], $0x6FFFF;
	_ =	strace $0x90000046  }
0xb5: {  	s29 =	simm.s32 $0x9;
	_ =	strace $0x80000048  }
0xb6: {  	_ =	swait.ge [sflag:s29], $0x1  }
0xb7: {  	[sflag:s29] =	ssyncadd.s32 $0xFFFFFFFF  }
0xb8: {  	_ =	strace $0x90000048  }
0xb9: {  	_ =	sfence  }
0xba: {  	s30 =	sld [smem:$0x0];
	_ =	sdelay $0x2  }
0xbb: {  	s31 =	sshll.u32 s1, $0xD;
	s1 =	sshrl.u32 s1, $0x2  }
0xbc: {  	s3 =	sand.u32 $0x4000, s31;
	s1 =	sadd.s32 s1, s30  }
0xbd: {  	s0 =	sor.u32 s3, s0;
	s1 =	sshll.u32 s1, $0x11  }
0xbe: {  	s0 =	sor.u32 s1, s0  }
0xbf: {  	s0 =	sadd.s32 $0x8F2B, s0  }
0xc0: {  	[sflag:s0] =	ssyncadd.remote.s32 $0x1  }
0xc1: {  	_ =	sfence.sel $0xFFFF  }
0xc2: {  	[dreg:$0x0] =	wrdreg $0xFFFFFFFF;
	(pc) =	sbr.abs _section_cstart, $3  }
0xc3: {  	[dreg:$0x1] =	wrdreg $0xFFFFFFFF  }
0xc4: {  	_ =	task.clear_ibuf [dreg:s9], $0x2FFFF;
	_ =	strace $0x9FFFFFFF  }
0xc5: {  	(tm) =	ssettm $0x7FFFFFFF  }
tec
execute0_lowered:
.L_overlay_start_1:
0x0: {  	(tag) =	ssettag $0x1  }
0x1: {  	s0 =	rddreg [dreg:$0x0]  }
0x2: {  	s1 =	rddreg [dreg:$0x1]  }
0x3: {  	s2 =	rddreg [dreg:$0x2];
	s4 =	srdreg.scid;
	s3 =	simm.s32 $0x0  }
0x4: {  	s9 =	stileid.u32;
	s18 =	simm.s32 $0x80;
	s28 =	simm.s32 $0x3  }
0x5: {  	s29 =	simm.s32 $0x15C00;
	s30 =	simm.s32 $0x4;
	s31 =	simm.s32 $0x7  }
0x6: {  	s14 =	simm.s32 $0x6;
	s15 =	simm.s32 $0x9;
	s16 =	simm.s32 $0xA  }
0x7: {  	s4 =	sand.u32 $0x1, s4;
	s6 =	sshll.u32 s9, $0x8;
	[smem:$0x7FF] =	sst s3  }
0x8: {  	s20 =	sshll.u32 s9, $0xF;
	s5 =	ssub.s32 $0x2, s4;
	s7 =	sshll.u32 s4, $0x7  }
0x9: {  	_ =	strace $0x80000047;
	s4 =	sshll.u32 s4, $0xE;
	s8 =	sshrl.u32 s5, $0x1  }
0xa: {  	s6 =	sor.u32 s7, s6;
	s4 =	sor.u32 s4, s20;
	s20 =	simm.s32 $0x5C00  }
0xb: {  	s5 =	ssub.s32 s5, s8;
	s7 =	sadd.s32 s0, s6;
	s19 =	sshll.u32 s6, $0x4  }
0xc: {  	s22 =	sor.u32 $0x100000, s4;
	s23 =	sshrl.u32 s4, $0x3;
	s24 =	sor.u32 $0x280000, s4  }
0xd: {  	s25 =	sor.u32 $0x200000, s4;
	s4 =	sor.u32 $0x180000, s4;
	[dreg:$0x4] =	wrdreg s7  }
0xe: {  	s7 =	sadd.s32 $0x6000, s7;
	s0 =	sadd.s32 s19, s2;
	s5 =	smax.u32 s5, $0x1  }
0xf: {  	s10 =	sadd.s32 s23, s2;
	s26 =	sshrl.u32 s25, $0x3;
	s4 =	sshrl.u32 s4, $0x3  }
0x10: {  	s19 =	simm.s32 $0x1C00;
	s23 =	simm.s32 $0x1;
	s25 =	simm.s32 $0x2  }
0x11: {  	[dreg:$0x5] =	wrdreg s7;
	s21 =	sadd.s32 $0x300000, s0;
	s0 =	sadd.s32 $0x310000, s0  }
0x12: {  	[dreg:$0x8] =	wrdreg s5;
	s12 =	sadd.s32 s26, s2;
	s13 =	sadd.s32 s4, s2  }
.Ltmp0:
0x13: {  	s26 =	simm.s32 $0x11C00;
	[dreg:$0x6] =	wrdreg s21;
	(pc) =	sbr.rel .LBB2_1-.Ltmp0, $4  }
0x14: {  	s5 =	simm.s32 $0xC;
	s4 =	simm.s32 $0x0;
	[dreg:$0x7] =	wrdreg s0  }
0x15: {  	s0 =	sshrl.u32 s22, $0x3;
	s22 =	simm.s32 $0x9C00;
	s21 =	simm.s32 $0xB  }
0x16: {  	s9 =	sadd.s32 s0, s2;
	s0 =	sshrl.u32 s24, $0x3;
	s24 =	simm.s32 $0xDC00  }
0x17: {  	s11 =	sadd.s32 s0, s2;
	s0 =	simm.s32 $0x5;
	s2 =	simm.s32 $0x8  }
.LBB2_4:
0x18: {  	_ =	swait.ge [sflag:s23], $0x4000  }
0x19: {  	[sflag:s23] =	ssyncset.done $0x0  }
0x1a: {  	s6 =	rddreg [dreg:$0x6];
	[sflag:s23] =	ssyncadd.s32 $0xFFFFC000  }
0x1b: {  	[hbm4b:s6+s3] =	stream.linear.scatter [tilespmem:s19], [sflag:$0x7], $0x4000, $0x38;
	[tilespmem:$0x19C00] =	vst v63  }
0x1c: {  	_ =	swait.ge [sflag:s16], $0x4000  }
0x1d: {  	[sflag:s16] =	ssyncset.done $0x0  }
0x1e: {  	[sflag:s16] =	ssyncadd.s32 $0xFFFFC000  }
0x1f: {  	_ =	swait.ge [sflag:s25], $0x4000  }
0x20: {  	[sflag:s25] =	ssyncset.done $0x0  }
0x21: {  	s8 =	rddreg [dreg:$0x7];
	[sflag:s25] =	ssyncadd.s32 $0xFFFFC000  }
0x22: {  	[hbm4b:s8+s3] =	stream.linear.scatter [tilespmem:s20], [sflag:$0x8], $0x4000, $0x38;
	[tilespmem:$0x19C00] =	vst v63  }
0x23: {  	_ =	swait.ge [sflag:s21], $0x4000  }
0x24: {  	[sflag:s21] =	ssyncset.done $0x0  }
0x25: {  	[sflag:s21] =	ssyncadd.s32 $0xFFFFC000  }
0x26: {  	_ =	swait.ge [sflag:s5], $0x4000  }
0x27: {  	[sflag:s5] =	ssyncset.done $0x0  }
0x28: {  	[sflag:s5] =	ssyncadd.s32 $0xFFFFC000  }
0x29: {  	_ =	swait.ge [sflag:s31], $0x4000  }
0x2a: {  	[sflag:s31] =	ssyncset.done $0x0  }
0x2b: {  	[sflag:s31] =	ssyncadd.s32 $0xFFFFC000  }
0x2c: {  	_ =	swait.ge [sflag:s2], $0x4000  }
0x2d: {  	s4 =	sadd.s32 $0x1, s4;
	s17 =	rddreg [dreg:$0x8]  }
0x2e: {  	p0 =	sne.s32 s4, s17  }
.Ltmp1:
0x2f: {  	_ = 	snop;
	(pc) =	sbr.rel @!p0 .LBB2_5-.Ltmp1, $3  }
0x30: {  	_ =	sdelay $0x1  }
0x31: {  	[sflag:s2] =	ssyncset.done $0x0  }
0x32: {  	[sflag:s2] =	ssyncadd.s32 $0xFFFFC000  }
.LBB2_1:
0x33: {  	s6 =	rddreg [dreg:$0x4];
	s7 =	simm.s32 $0x400;
	s8 =	simm.s32 $0x8000  }
0x34: {  	[tilespmem:s3], [sflag:$0xD] =	stream.strided.gather [hbm4b:s6+s7], $0x1800, s8, s7, $0x38;
	[tilespmem:$0x19C00] =	vst v63  }
0x35: {  	s17 =	simm.s32 $0x1800;
	s8 =	rddreg [dreg:$0x5]  }
0x36: {  	[tilespmem:s17], [sflag:$0xD] =	stream.linear.gather [hbm4b:s8+s3], $0x100, $0x38;
	[tilespmem:$0x19C00] =	vst v63  }
0x37: {  	s8 =	simm.s32 $0xD  }
0x38: {  	_ =	swait.ge [sflag:s8], $0x1900  }
0x39: {  	[sflag:s8] =	ssyncset.done $0x0  }
0x3a: {  	[sflag:s8] =	ssyncadd.s32 $0xFFFFE700  }
0x3b: {  	[tilespmem:s19], [sflag:$0x1] =	stream.indirect.gather [hbm4b:s1+s18], $0x80, s3, s18, $0xb8;
	[tilespmem:$0x19C00] =	vst v63  }
0x3c: {  	_ = 	snop  }
0x3d: {  	[tilespmem:s20], [sflag:$0x2] =	stream.indirect.gather [hbm4b:s1+s18], $0x80, s18, s18, $0xb8;
	[tilespmem:$0x19C00] =	vst v63  }
0x3e: {  	s6 =	simm.s32 $0x200;
	s7 =	simm.s32 $0x0;
	s17 =	simm.s32 $0x100  }
0x3f: {  	[tilespmem:s22], [sflag:$0x3] =	stream.indirect.gather [hbm4b:s1+s18], $0x80, s17, s18, $0xb8;
	[tilespmem:$0x19C00] =	vst v63  }
.LBB2_2:
0x40: {  	_ =	swait.ge [sflag:s23], $0x4000  }
0x41: {  	p0 =	seq.s32 s7, $0x0;
	[sflag:s23] =	ssyncset.done $0x0  }
0x42: {  	s8 =	sadd.s32 s7, s10;
	s17 =	simm.s32 @!p0 $0xA;
	[sflag:s23] =	ssyncadd.s32 $0xFFFFC000  }
0x43: {  	[hbm4b:s8+s3] =	stream.linear.scatter [tilespmem:s19], [sflag:$0x7], $0x4000, $0x38;
	[tilespmem:$0x19C00] =	vst v63  }
0x44: {  	_ =	swait.ge @!p0 [sflag:s17], $0x4000  }
0x45: {  	[sflag:s17] =	ssyncset.done @!p0 $0x0  }
0x46: {  	[sflag:s17] =	ssyncadd.s32 @!p0 $0xFFFFC000;
	s17 =	sadd.s32 $0xFFFFFF80, s6  }
0x47: {  	[tilespmem:s24], [sflag:$0x4] =	stream.indirect.gather [hbm4b:s1+s18], $0x80, s17, s18, $0xb8;
	[tilespmem:$0x19C00] =	vst v63  }
0x48: {  	_ =	swait.ge [sflag:s25], $0x4000  }
0x49: {  	[sflag:s25] =	ssyncset.done $0x0  }
0x4a: {  	s8 =	sadd.s32 $0x10000, s8;
	[sflag:s25] =	ssyncadd.s32 $0xFFFFC000  }
0x4b: {  	[hbm4b:s8+s3] =	stream.linear.scatter [tilespmem:s20], [sflag:$0x8], $0x4000, $0x38;
	[tilespmem:$0x19C00] =	vst v63  }
0x4c: {  	s8 =	simm.s32 @!p0 $0xB  }
0x4d: {  	_ =	swait.ge @!p0 [sflag:s8], $0x4000  }
0x4e: {  	[sflag:s8] =	ssyncset.done @!p0 $0x0  }
0x4f: {  	[sflag:s8] =	ssyncadd.s32 @!p0 $0xFFFFC000  }
0x50: {  	[tilespmem:s26], [sflag:$0x5] =	stream.indirect.gather [hbm4b:s1+s18], $0x80, s6, s18, $0xb8;
	[tilespmem:$0x19C00] =	vst v63  }
0x51: {  	_ =	swait.ge [sflag:s28], $0x4000  }
0x52: {  	[sflag:s28] =	ssyncset.done $0x0  }
0x53: {  	s17 =	sadd.s32 s7, s9;
	s8 =	simm.s32 @!p0 $0xC;
	[sflag:s28] =	ssyncadd.s32 $0xFFFFC000  }
0x54: {  	[hbm4b:s17+s3] =	stream.linear.scatter [tilespmem:s22], [sflag:$0x9], $0x4000, $0x38;
	[tilespmem:$0x19C00] =	vst v63  }
0x55: {  	_ =	swait.ge @!p0 [sflag:s8], $0x4000  }
0x56: {  	[sflag:s8] =	ssyncset.done @!p0 $0x0  }
0x57: {  	s17 =	sadd.s32 $0x80, s6;
	[sflag:s8] =	ssyncadd.s32 @!p0 $0xFFFFC000  }
0x58: {  	[tilespmem:s29], [sflag:$0x6] =	stream.indirect.gather [hbm4b:s1+s18], $0x80, s17, s18, $0xb8;
	[tilespmem:$0x19C00] =	vst v63  }
0x59: {  	_ =	swait.ge [sflag:s30], $0x4000  }
0x5a: {  	[sflag:s30] =	ssyncset.done $0x0  }
0x5b: {  	s17 =	sadd.s32 s7, s13;
	[sflag:s30] =	ssyncadd.s32 $0xFFFFC000  }
0x5c: {  	[hbm4b:s17+s3] =	stream.linear.scatter [tilespmem:s24], [sflag:$0xA], $0x4000, $0x38;
	[tilespmem:$0x19C00] =	vst v63  }
0x5d: {  	_ =	swait.ge [sflag:s31], $0x4000  }
0x5e: {  	[sflag:s31] =	ssyncset.done $0x0  }
0x5f: {  	s17 =	sadd.s32 $0x100, s6;
	[sflag:s31] =	ssyncadd.s32 $0xFFFFC000  }
0x60: {  	[tilespmem:s19], [sflag:$0x1] =	stream.indirect.gather [hbm4b:s1+s18], $0x80, s17, s18, $0xb8;
	[tilespmem:$0x19C00] =	vst v63  }
0x61: {  	_ =	swait.ge [sflag:s0], $0x4000  }
0x62: {  	[sflag:s0] =	ssyncset.done $0x0  }
0x63: {  	s17 =	sadd.s32 s7, s12;
	[sflag:s0] =	ssyncadd.s32 $0xFFFFC000  }
0x64: {  	[hbm4b:s17+s3] =	stream.linear.scatter [tilespmem:s26], [sflag:$0xB], $0x4000, $0x38;
	[tilespmem:$0x19C00] =	vst v63  }
0x65: {  	_ =	swait.ge [sflag:s2], $0x4000  }
0x66: {  	[sflag:s2] =	ssyncset.done $0x0  }
0x67: {  	s17 =	sadd.s32 $0x180, s6;
	[sflag:s2] =	ssyncadd.s32 $0xFFFFC000  }
0x68: {  	[tilespmem:s20], [sflag:$0x2] =	stream.indirect.gather [hbm4b:s1+s18], $0x80, s17, s18, $0xb8;
	[tilespmem:$0x19C00] =	vst v63  }
0x69: {  	_ =	swait.ge [sflag:s14], $0x4000  }
0x6a: {  	p0 =	seq.s32 s7, $0x2A0000;
	[sflag:s14] =	ssyncset.done $0x0  }
.Ltmp2:
0x6b: {  	s17 =	sadd.s32 s7, s11;
	[sflag:s14] =	ssyncadd.s32 $0xFFFFC000;
	(pc) =	sbr.rel @p0 .LBB2_4-.Ltmp2, $4  }
0x6c: {  	[hbm4b:s17+s3] =	stream.linear.scatter [tilespmem:s29], [sflag:$0xC], $0x4000, $0x38;
	[tilespmem:$0x19C00] =	vst v63  }
0x6d: {  	_ =	swait.ge [sflag:s15], $0x4000  }
0x6e: {  	[sflag:s15] =	ssyncset.done $0x0  }
0x6f: {  	[sflag:s15] =	ssyncadd.s32 $0xFFFFC000  }
.Ltmp3:
0x70: {  	(pc) =	sbr.rel .LBB2_2-.Ltmp3, $3  }
0x71: {  	_ =	sdelay $0x1  }
0x72: {  	s8 =	sadd.s32 $0x200, s6;
	s7 =	sadd.s32 $0x60000, s7;
	s6 =	sadd.s32 $0x300, s6  }
0x73: {  	[tilespmem:s22], [sflag:$0x3] =	stream.indirect.gather [hbm4b:s1+s18], $0x80, s8, s18, $0xb8;
	[tilespmem:$0x19C00] =	vst v63  }
.LBB2_5:
0x74: {  	_ =	sfence.sel $0x180000  }
0x75: {  	[bflag:$0x0] =	sbarrier.arrive $0xFFFF  }
0x76: {  	_ =	strace $0x90000047  }
0x77: {  	s0 =	stileid.u32;
	[bflag:$0x2] =	sbarrier.arrive $0xFFFF  }
0x78: {  	p0 =	sne.s32 s0, $0x0;
	s0 =	rddreg [dreg:$0x3]  }
0x79: {  	s0 =	sadd.s32 @!p0 $0x100000, s0  }
0x7a: {  	[sflag:s0] =	ssyncadd.tile.s32 @!p0 $0x1;
	_ =	shalt  }
.Lfunc_end2:
_tile_overlayer_lowered:
.L_overlay_start_2:
0x7b: {  	(tag) =	ssettag $0x2  }
0x7c: {  	s0 =	rddreg [dreg:$0x0];
	s2 =	stileid.u32  }
0x7d: {  	s1 =	rddreg [dreg:$0x1];
	p0 =	sne.s32 s2, $0x0  }
0x7e: {  	s3 =	rddreg [dreg:$0x2];
	[bflag:$0x3] =	sbarrier.arrive $0xFFFF;
	s2 =	simm.s32 @!p0 $0x1C0D  }
0x7f: {  	[timem:s3], [sflag:s2] =	dma.local @!p0 [hbm:s0], s1  }
0x80: {  	s0 =	simm.s32 @!p0 $0xD  }
0x81: {  	_ =	swait.ge @!p0 [sflag:s0], s1  }
0x82: {  	s1 =	ssub.s32 @!p0 $0x0, s1;
	[sflag:s0] =	ssyncset.done @!p0 $0x0  }
0x83: {  	[sflag:s0] =	ssyncadd.s32 @!p0 s1  }
0x84: {  	[bflag:$0x3] =	sbarrier.arrive $0xFFFF  }
0x85: {  	_ =	shalt  }

</sc_bundles>
